<compile_context>
chip_gen: v7x
topology: tpu7x:2x2x1
jax: 0.10.2.dev20260603
libtpu: 0.0.44.dev20260713+nightly
codegen_flags: <defaults>
</compile_context>

<pallas_src>
import functools

import jax
import jax.numpy as jnp
from jax import lax
from jax.experimental import pallas as pl
from jax.experimental.pallas import tpu as pltpu
from jax.experimental.pallas import tpu_sc as plsc

ALPHA = 0.2
B, L, V, D = 1024, 20, 100000, 64
BB = 8
BBL = BB * L
NSUB = 8
GB = BB * NSUB
GBL = GB * L
NEG = -9e15


@functools.cache
def _make_sc_gather():
    info = plsc.get_sparse_core_info()
    nc, ns = info.num_cores, info.num_subcores
    nw = nc * ns
    btot = B * L
    b_per_w = btot // nw
    mesh = plsc.VectorSubcoreMesh(core_axis_name="c", subcore_axis_name="s")

    @functools.partial(
        pl.kernel, mesh=mesh,
        out_type=jax.ShapeDtypeStruct((btot, 2 * D), jnp.float32),
        scratch_types=[
            pltpu.VMEM((b_per_w,), jnp.int32),
            pltpu.VMEM((b_per_w, D), jnp.float32),
            pltpu.SemaphoreType.DMA,
        ],
        compiler_params=pltpu.CompilerParams(use_tc_tiling_on_sc=False),
    )
    def gather_k(idx_hbm, table_hbm, out_hbm, idx_v, rows_v, sem):
        wid = lax.axis_index("s") * nc + lax.axis_index("c")
        base = wid * b_per_w
        pltpu.sync_copy(idx_hbm.at[pl.ds(base, b_per_w)], idx_v)
        pltpu.async_copy(table_hbm.at[idx_v], rows_v, sem).wait()
        pltpu.sync_copy(rows_v, out_hbm.at[pl.ds(base, b_per_w), pl.ds(0, D)])

    return gather_k


def _agg_sub(h, adj, a_rep, tile_m, mask):
    hw = jnp.concatenate([h, h, h, h], axis=0) * a_rep
    e_all = lax.dot_general(hw, h, (((1,), (1,)), ((), ())),
                            preferred_element_type=jnp.float32)

    adj_t = lax.dot_general(adj, tile_m, (((1,), (0,)), ((), ())),
                            preferred_element_type=jnp.float32)

    base = jnp.where(adj_t == 1.0, e_all[0 * BBL:1 * BBL],
           jnp.where(adj_t == 2.0, e_all[1 * BBL:2 * BBL],
           jnp.where(adj_t == 3.0, e_all[2 * BBL:3 * BBL],
           jnp.where(adj_t == 4.0, e_all[3 * BBL:4 * BBL], NEG))))
    att = jnp.maximum(base, ALPHA * base) + mask

    m = jnp.max(att, axis=1, keepdims=True)
    p = jnp.exp(att - m)
    s = jnp.sum(p, axis=1, keepdims=True)

    acc = lax.dot_general(p, h, (((1,), (0,)), ((), ())),
                          preferred_element_type=jnp.float32)
    return acc * (1.0 / s)


def _agg_body(h_ref, adj_ref, a_ref, tile_ref, mask_ref, out_ref):
    a_rep = a_ref[...]
    tile_m = tile_ref[...]
    mask = mask_ref[...]
    for sub in range(NSUB):
        r = slice(sub * BBL, (sub + 1) * BBL)
        h = h_ref[r, :D]
        adj = adj_ref[sub * BB:(sub + 1) * BB].astype(jnp.float32)
        adj = adj.reshape(BBL, L)
        res = _agg_sub(h, adj, a_rep, tile_m, mask)
        out_ref[sub * BB:(sub + 1) * BB] = res.reshape(BB, L, D)


_agg_call = pl.pallas_call(
    _agg_body,
    grid=(B // GB,),
    in_specs=[
        pl.BlockSpec((GBL, 2 * D), lambda i: (i, 0)),
        pl.BlockSpec((GB, L, L), lambda i: (i, 0, 0)),
        pl.BlockSpec((4 * BBL, D), lambda i: (0, 0)),
        pl.BlockSpec((L, BBL), lambda i: (0, 0)),
        pl.BlockSpec((BBL, BBL), lambda i: (0, 0)),
    ],
    out_specs=pl.BlockSpec((GB, L, D), lambda i: (i, 0, 0)),
    out_shape=jax.ShapeDtypeStruct((B, L, D), jnp.float32),
    compiler_params=pltpu.CompilerParams(dimension_semantics=("parallel",)),
)


def _consts():
    jl = jnp.arange(BBL)
    tile_m = (jl[None, :] % L == jnp.arange(L)[:, None]).astype(jnp.float32)
    same = (jl[:, None] // L) == (jl[None, :] // L)
    blk_mask = jnp.where(same, 0.0, -jnp.inf).astype(jnp.float32)
    return tile_m, blk_mask


def kernel(inputs, adj, mask_item, item, embedding, a_0, a_1, a_2, a_3):
    idx = inputs.reshape(-1)
    h2 = _make_sc_gather()(idx, embedding)
    a_mat = jnp.concatenate([a_0, a_1, a_2, a_3], axis=1).T
    a_rep = jnp.repeat(a_mat, BBL, axis=0)
    tile_m, blk_mask = _consts()
    return _agg_call(h2, adj, a_rep, tile_m, blk_mask)

# --- scband reference (transcript-rebuilt; emitter-appended) ---
"""Pipeline reference for scband-combine-graph-5497558139476 (READ-ONLY COPY).

The authoritative reference and input builder live on the scoring server;
editing this copy changes nothing except your own understanding.
"""

import jax, jax.numpy as jnp
import numpy as np

ALPHA = 0.2  # opt.alpha, LeakyReLU negative slope
B, L, V, D = 1024, 20, 100000, 64


def setup_inputs(seed: int = 0) -> dict:
    key = jax.random.key(seed)
    ks = jax.random.split(key, 9)
    inputs = jax.random.randint(ks[0], (B, L), 0, V)
    adj = jax.random.randint(ks[1], (B, L, L), 0, 5)
    mask_item = jax.random.randint(ks[2], (B, L), 0, 2)
    item = jax.random.randint(ks[3], (B, L), 0, V)
    stdv = 1.0 / np.sqrt(D)
    embedding = jax.random.uniform(ks[4], (V, D), minval=-stdv, maxval=stdv, dtype=jnp.float32)
    a_0 = jax.random.uniform(ks[5], (D, 1), minval=-stdv, maxval=stdv, dtype=jnp.float32)
    a_1 = jax.random.uniform(ks[6], (D, 1), minval=-stdv, maxval=stdv, dtype=jnp.float32)
    a_2 = jax.random.uniform(ks[7], (D, 1), minval=-stdv, maxval=stdv, dtype=jnp.float32)
    a_3 = jax.random.uniform(ks[8], (D, 1), minval=-stdv, maxval=stdv, dtype=jnp.float32)
    return {"inputs": inputs, "adj": adj, "mask_item": mask_item, "item": item,
            "embedding": embedding, "a_0": a_0, "a_1": a_1, "a_2": a_2, "a_3": a_3}


def reference(inputs, adj, mask_item, item, embedding, a_0, a_1, a_2, a_3):
    # h = self.embedding(inputs)
    h = jnp.take(embedding, inputs, axis=0)  # [B, L, D]
    # LocalAggregator (GCE-GNN style): pairwise feature products + edge-type attention
    a_input = h[:, :, None, :] * h[:, None, :, :]  # [B, L, L, D]; a_input[b,i,j]=h[b,i]*h[b,j]

    def e_score(a):
        e = jnp.squeeze(jnp.matmul(a_input, a), -1)  # [B, L, L]
        return jax.nn.leaky_relu(e, negative_slope=ALPHA)

    e_0 = e_score(a_0)
    e_1 = e_score(a_1)
    e_2 = e_score(a_2)
    e_3 = e_score(a_3)
    neg = -9e15 * jnp.ones_like(e_0)
    alpha = jnp.where(adj == 1, e_0, neg)
    alpha = jnp.where(adj == 2, e_1, alpha)
    alpha = jnp.where(adj == 3, e_2, alpha)
    alpha = jnp.where(adj == 4, e_3, alpha)
    alpha = jax.nn.softmax(alpha, axis=-1)
    h_local = jnp.matmul(alpha, h)  # [B, L, D]
    # F.dropout with dropout_local=0.0 (and eval mode) is identity
    return h_local


if False:  # reference __main__ guard neutralized (emitter)
    out = reference(**setup_inputs())
    print(out.shape)

if __name__ == "__main__":
    import jax
    _d = setup_inputs()
    print(jax.jit(kernel)(*tuple(_d.values())))

</pallas_src>

<mosaic_0001>
#map = affine_map<(d0, d1) -> (0)>
#map1 = affine_map<(d0, d1) -> (0, 0)>
module attributes {stable_mosaic.version = 14 : i64} {
  func.func @gather_k(%arg0: i32, %arg1: i32, %arg2: memref<20480xi32, #tpu.memory_space<hbm>>, %arg3: memref<100000x64xf32, #tpu.memory_space<hbm>>, %arg4: memref<20480x128xf32, #tpu.memory_space<hbm>>, %arg5: memref<640xi32, #tpu.memory_space<vmem>>, %arg6: memref<640x64xf32, #tpu.memory_space<vmem>>, %arg7: memref<!tpu.dma_semaphore, #tpu.memory_space<semaphore_mem>>) attributes {dimension_semantics = [#tpu.dimension_semantics<core_parallel>, #tpu.dimension_semantics<subcore_parallel>], iteration_bounds = array<i64: 2, 16>, scalar_prefetch = 0 : i64, scratch_operands = 3 : i64, tpu.core_type = #tpu.core_type<sc_vector_subcore>, window_params = [{transform_indices = #map}, {transform_indices = #map1}, {transform_indices = #map1}]} {
    %mul3A = arith.constant 2 : i32
    %mul3A_0 = arith.muli %arg1, %mul3A : i32
    %add3A = arith.addi %mul3A_0, %arg0 : i32
    %mul3A_1 = arith.constant 640 : i32
    %mul3A_2 = arith.muli %add3A, %mul3A_1 : i32
    "tpu.region"() ({
      %run_scoped3A = tpu.sem_alloc : memref<!tpu.dma_semaphore, #tpu.memory_space<semaphore_mem>>
      %dma_start3A_7 = tpu.memref_slice %arg2[%mul3A_2] : memref<20480xi32, #tpu.memory_space<hbm>> -> memref<640xi32, #tpu.memory_space<hbm>>
      %dma_start3A_8 = tpu.memref_slice %arg2[%mul3A_2] : memref<20480xi32, #tpu.memory_space<hbm>> -> memref<640xi32, #tpu.memory_space<hbm>>
      tpu.enqueue_dma source(%dma_start3A_8 : memref<640xi32, #tpu.memory_space<hbm>>) target(%arg5 : memref<640xi32, #tpu.memory_space<vmem>>) target_semaphore(%run_scoped3A : memref<!tpu.dma_semaphore, #tpu.memory_space<semaphore_mem>>)
      %dma_wait3A_9 = tpu.memref_slice %arg2[%mul3A_2] : memref<20480xi32, #tpu.memory_space<hbm>> -> memref<640xi32, #tpu.memory_space<hbm>>
      %dma_wait3A_10 = tpu.memref_slice %arg2[%mul3A_2] : memref<20480xi32, #tpu.memory_space<hbm>> -> memref<640xi32, #tpu.memory_space<hbm>>
      tpu.wait_dma2 semaphore(%run_scoped3A : memref<!tpu.dma_semaphore, #tpu.memory_space<semaphore_mem>>) src(%dma_wait3A_10 : memref<640xi32, #tpu.memory_space<hbm>>) dst(%arg5 : memref<640xi32, #tpu.memory_space<vmem>>)
      tpu.yield
    }) : () -> ()
    %dma_start3A = arith.constant 0 : i32
    %dma_start3A_3 = arith.constant 0 : i32
    %dma_start3A_4 = tpu.memref_slice %arg3[%dma_start3A, %dma_start3A_3] : memref<100000x64xf32, #tpu.memory_space<hbm>> -> memref<100000x64xf32, #tpu.memory_space<hbm>>
    tpu.enqueue_indirect_dma source(%dma_start3A_4 : memref<100000x64xf32, #tpu.memory_space<hbm>>) target(%arg6 : memref<640x64xf32, #tpu.memory_space<vmem>>) offsets(%arg5 : memref<640xi32, #tpu.memory_space<vmem>>) semaphore(%arg7 : memref<!tpu.dma_semaphore, #tpu.memory_space<semaphore_mem>>)
    %dma_wait3A = arith.constant 0 : i32
    %dma_wait3A_5 = arith.constant 0 : i32
    %dma_wait3A_6 = tpu.memref_slice %arg3[%dma_wait3A, %dma_wait3A_5] : memref<100000x64xf32, #tpu.memory_space<hbm>> -> memref<100000x64xf32, #tpu.memory_space<hbm>>
    tpu.wait_indirect_dma semaphore(%arg7 : memref<!tpu.dma_semaphore, #tpu.memory_space<semaphore_mem>>) src(%dma_wait3A_6 : memref<100000x64xf32, #tpu.memory_space<hbm>>) dst(%arg6 : memref<640x64xf32, #tpu.memory_space<vmem>>)
    "tpu.region"() ({
      %run_scoped3A = tpu.sem_alloc : memref<!tpu.dma_semaphore, #tpu.memory_space<semaphore_mem>>
      %dma_start3A_7 = arith.constant 0 : i32
      %dma_start3A_8 = tpu.memref_slice %arg4[%mul3A_2, %dma_start3A_7] : memref<20480x128xf32, #tpu.memory_space<hbm>> -> memref<640x64xf32, #tpu.memory_space<hbm>>
      %dma_start3A_9 = arith.constant 0 : i32
      %dma_start3A_10 = tpu.memref_slice %arg4[%mul3A_2, %dma_start3A_9] : memref<20480x128xf32, #tpu.memory_space<hbm>> -> memref<640x64xf32, #tpu.memory_space<hbm>>
      tpu.enqueue_dma source(%arg6 : memref<640x64xf32, #tpu.memory_space<vmem>>) target(%dma_start3A_10 : memref<640x64xf32, #tpu.memory_space<hbm>>) target_semaphore(%run_scoped3A : memref<!tpu.dma_semaphore, #tpu.memory_space<semaphore_mem>>)
      %dma_wait3A_11 = arith.constant 0 : i32
      %dma_wait3A_12 = tpu.memref_slice %arg4[%mul3A_2, %dma_wait3A_11] : memref<20480x128xf32, #tpu.memory_space<hbm>> -> memref<640x64xf32, #tpu.memory_space<hbm>>
      %dma_wait3A_13 = arith.constant 0 : i32
      %dma_wait3A_14 = tpu.memref_slice %arg4[%mul3A_2, %dma_wait3A_13] : memref<20480x128xf32, #tpu.memory_space<hbm>> -> memref<640x64xf32, #tpu.memory_space<hbm>>
      tpu.wait_dma2 semaphore(%run_scoped3A : memref<!tpu.dma_semaphore, #tpu.memory_space<semaphore_mem>>) src(%arg6 : memref<640x64xf32, #tpu.memory_space<vmem>>) dst(%dma_wait3A_14 : memref<640x64xf32, #tpu.memory_space<hbm>>)
      tpu.yield
    }) : () -> ()
    return
  }
}

module attributes {stable_mosaic.version = 14 : i64} {
  func.func @_agg_body(%arg0: i32, %arg1: memref<1280x128xf32, #tpu.memory_space<vmem>>, %arg2: memref<64x20x20xi32, #tpu.memory_space<vmem>>, %arg3: memref<640x64xf32, #tpu.memory_space<vmem>>, %arg4: memref<20x160xf32, #tpu.memory_space<vmem>>, %arg5: memref<160x160xf32, #tpu.memory_space<vmem>>, %arg6: memref<64x20x64xf32, #tpu.memory_space<vmem>>) attributes {dimension_semantics = [#tpu.dimension_semantics<parallel>], iteration_bounds = array<i64: 16>, scalar_prefetch = 0 : i64, scratch_operands = 0 : i64, tpu.core_type = #tpu.core_type<tc>, window_params = [{transform_indices = @transform_0, window_bounds = array<i64: 1280, 128>}, {transform_indices = @transform_1, window_bounds = array<i64: 64, 20, 20>}, {pipeline_mode = #tpu.pipeline_mode<synchronous>, transform_indices = @transform_2, window_bounds = array<i64: 640, 64>}, {pipeline_mode = #tpu.pipeline_mode<synchronous>, transform_indices = @transform_3, window_bounds = array<i64: 20, 160>}, {pipeline_mode = #tpu.pipeline_mode<synchronous>, transform_indices = @transform_4, window_bounds = array<i64: 160, 160>}, {transform_indices = @transform_5, window_bounds = array<i64: 64, 20, 64>}]} {
    %get3A = arith.constant 0 : index
    %get3A_0 = arith.constant 0 : index
    %get3A_1 = vector.load %arg3[%get3A, %get3A_0] : memref<640x64xf32, #tpu.memory_space<vmem>>, vector<640x64xf32>
    %get3A_2 = arith.constant 0 : index
    %get3A_3 = arith.constant 0 : index
    %get3A_4 = vector.load %arg4[%get3A_2, %get3A_3] : memref<20x160xf32, #tpu.memory_space<vmem>>, vector<20x160xf32>
    %get3A_5 = arith.constant 0 : index
    %get3A_6 = arith.constant 0 : index
    %get3A_7 = vector.load %arg5[%get3A_5, %get3A_6] : memref<160x160xf32, #tpu.memory_space<vmem>>, vector<160x160xf32>
    %get3A_8 = arith.constant 0 : index
    %get3A_9 = arith.constant 0 : index
    %get3A_10 = vector.load %arg1[%get3A_8, %get3A_9] : memref<1280x128xf32, #tpu.memory_space<vmem>>, vector<160x64xf32>
    %get3A_11 = arith.constant 0 : index
    %get3A_12 = arith.constant 0 : index
    %get3A_13 = arith.constant 0 : index
    %get3A_14 = vector.load %arg2[%get3A_11, %get3A_12, %get3A_13] : memref<64x20x20xi32, #tpu.memory_space<vmem>>, vector<8x20x20xi32>
    %convert_element_type3A = arith.sitofp %get3A_14 : vector<8x20x20xi32> to vector<8x20x20xf32>
    %reshape3A = vector.shape_cast %convert_element_type3A : vector<8x20x20xf32> to vector<160x20xf32>
    %concatenate3A = tpu.concatenate %get3A_10, %get3A_10, %get3A_10, %get3A_10 in 0 : vector<160x64xf32>, vector<160x64xf32>, vector<160x64xf32>, vector<160x64xf32> -> vector<640x64xf32>
    %mul3A = arith.mulf %concatenate3A, %get3A_1 : vector<640x64xf32>
    %dot_general3A = arith.constant dense<0.000000e+00> : vector<640x160xf32>
    %dot_general3A_15 = tpu.matmul %mul3A, %get3A_10, %dot_general3A {dimension_numbers = #tpu.dot_dimension_numbers<[1], [1], [0], [0], [0, 0, 1, 0], [], []>, transpose_lhs_hint = false} : vector<640x64xf32>, vector<160x64xf32>, vector<640x160xf32> -> vector<640x160xf32>
    %dot_general3A_16 = arith.constant dense<0.000000e+00> : vector<160x160xf32>
    %dot_general3A_17 = tpu.matmul %reshape3A, %get3A_4, %dot_general3A_16 {dimension_numbers = #tpu.dot_dimension_numbers<[1], [0], [0], [1], [0, 0, 1, 1], [], []>, transpose_lhs_hint = false} : vector<160x20xf32>, vector<20x160xf32>, vector<160x160xf32> -> vector<160x160xf32>
    %eq3A = arith.constant 1.000000e+00 : f32
    %eq3A_18 = vector.broadcast %eq3A : f32 to vector<160x160xf32>
    %eq3A_19 = arith.cmpf oeq, %dot_general3A_17, %eq3A_18 : vector<160x160xf32>
    %slice3A = vector.extract_strided_slice %dot_general3A_15 {offsets = [0, 0], sizes = [160, 160], strides = [1, 1]} : vector<640x160xf32> to vector<160x160xf32>
    %eq3A_20 = arith.constant 2.000000e+00 : f32
    %eq3A_21 = vector.broadcast %eq3A_20 : f32 to vector<160x160xf32>
    %eq3A_22 = arith.cmpf oeq, %dot_general3A_17, %eq3A_21 : vector<160x160xf32>
    %slice3A_23 = vector.extract_strided_slice %dot_general3A_15 {offsets = [160, 0], sizes = [160, 160], strides = [1, 1]} : vector<640x160xf32> to vector<160x160xf32>
    %eq3A_24 = arith.constant 3.000000e+00 : f32
    %eq3A_25 = vector.broadcast %eq3A_24 : f32 to vector<160x160xf32>
    %eq3A_26 = arith.cmpf oeq, %dot_general3A_17, %eq3A_25 : vector<160x160xf32>
    %slice3A_27 = vector.extract_strided_slice %dot_general3A_15 {offsets = [320, 0], sizes = [160, 160], strides = [1, 1]} : vector<640x160xf32> to vector<160x160xf32>
    %eq3A_28 = arith.constant 4.000000e+00 : f32
    %eq3A_29 = vector.broadcast %eq3A_28 : f32 to vector<160x160xf32>
    %eq3A_30 = arith.cmpf oeq, %dot_general3A_17, %eq3A_29 : vector<160x160xf32>
    %slice3A_31 = vector.extract_strided_slice %dot_general3A_15 {offsets = [480, 0], sizes = [160, 160], strides = [1, 1]} : vector<640x160xf32> to vector<160x160xf32>
    %jit3A = arith.constant -9.000000e+15 : f32
    %broadcast_in_dim3A = vector.broadcast %jit3A : f32 to vector<160x160xf32>
    %select_n3A = arith.select %eq3A_30, %slice3A_31, %broadcast_in_dim3A : vector<160x160xi1>, vector<160x160xf32>
    %select_n3A_32 = arith.select %eq3A_26, %slice3A_27, %select_n3A : vector<160x160xi1>, vector<160x160xf32>
    %select_n3A_33 = arith.select %eq3A_22, %slice3A_23, %select_n3A_32 : vector<160x160xi1>, vector<160x160xf32>
    %select_n3A_34 = arith.select %eq3A_19, %slice3A, %select_n3A_33 : vector<160x160xi1>, vector<160x160xf32>
    %mul3A_35 = arith.constant 2.000000e-01 : f32
    %mul3A_36 = vector.broadcast %mul3A_35 : f32 to vector<160x160xf32>
    %mul3A_37 = arith.mulf %mul3A_36, %select_n3A_34 : vector<160x160xf32>
    %max3A = arith.maximumf %select_n3A_34, %mul3A_37 : vector<160x160xf32>
    %add3A = arith.addf %max3A, %get3A_7 : vector<160x160xf32>
    %reduce_max3A = arith.constant dense<0xFF800000> : vector<160xf32>
    %reduce_max3A_38 = vector.multi_reduction <maximumf>, %add3A, %reduce_max3A [1] : vector<160x160xf32> to vector<160xf32>
    %broadcast_in_dim3A_39 = vector.shape_cast %reduce_max3A_38 : vector<160xf32> to vector<160x1xf32>
    %sub3A = vector.broadcast %broadcast_in_dim3A_39 : vector<160x1xf32> to vector<160x160xf32>
    %sub3A_40 = arith.subf %add3A, %sub3A : vector<160x160xf32>
    %exp3A = math.exp %sub3A_40 : vector<160x160xf32>
    %reduce_sum3A = arith.constant dense<0.000000e+00> : vector<160xf32>
    %reduce_sum3A_41 = vector.multi_reduction <add>, %exp3A, %reduce_sum3A [1] : vector<160x160xf32> to vector<160xf32>
    %broadcast_in_dim3A_42 = vector.shape_cast %reduce_sum3A_41 : vector<160xf32> to vector<160x1xf32>
    %dot_general3A_43 = arith.constant dense<0.000000e+00> : vector<160x64xf32>
    %dot_general3A_44 = tpu.matmul %exp3A, %get3A_10, %dot_general3A_43 {dimension_numbers = #tpu.dot_dimension_numbers<[1], [0], [0], [1], [0, 0, 1, 1], [], []>, transpose_lhs_hint = false} : vector<160x160xf32>, vector<160x64xf32>, vector<160x64xf32> -> vector<160x64xf32>
    %div3A = arith.constant 1.000000e+00 : f32
    %div3A_45 = vector.broadcast %div3A : f32 to vector<160x1xf32>
    %div3A_46 = arith.divf %div3A_45, %broadcast_in_dim3A_42 : vector<160x1xf32>
    %mul3A_47 = vector.broadcast %div3A_46 : vector<160x1xf32> to vector<160x64xf32>
    %mul3A_48 = arith.mulf %dot_general3A_44, %mul3A_47 : vector<160x64xf32>
    %reshape3A_49 = vector.shape_cast %mul3A_48 : vector<160x64xf32> to vector<8x20x64xf32>
    %swap3A = arith.constant 0 : index
    %swap3A_50 = arith.constant 0 : index
    %swap3A_51 = arith.constant 0 : index
    %swap3A_52 = vector.load %arg6[%swap3A, %swap3A_50, %swap3A_51] : memref<64x20x64xf32, #tpu.memory_space<vmem>>, vector<8x20x64xf32>
    tpu.vector_store %arg6[%swap3A, %swap3A_50, %swap3A_51], %reshape3A_49 {strides = array<i32>} : memref<64x20x64xf32, #tpu.memory_space<vmem>>, vector<8x20x64xf32>,
    %get3A_53 = arith.constant 160 : index
    %get3A_54 = arith.constant 0 : index
    %get3A_55 = vector.load %arg1[%get3A_53, %get3A_54] : memref<1280x128xf32, #tpu.memory_space<vmem>>, vector<160x64xf32>
    %get3A_56 = arith.constant 8 : index
    %get3A_57 = arith.constant 0 : index
    %get3A_58 = arith.constant 0 : index
    %get3A_59 = vector.load %arg2[%get3A_56, %get3A_57, %get3A_58] : memref<64x20x20xi32, #tpu.memory_space<vmem>>, vector<8x20x20xi32>
    %convert_element_type3A_60 = arith.sitofp %get3A_59 : vector<8x20x20xi32> to vector<8x20x20xf32>
    %reshape3A_61 = vector.shape_cast %convert_element_type3A_60 : vector<8x20x20xf32> to vector<160x20xf32>
    %concatenate3A_62 = tpu.concatenate %get3A_55, %get3A_55, %get3A_55, %get3A_55 in 0 : vector<160x64xf32>, vector<160x64xf32>, vector<160x64xf32>, vector<160x64xf32> -> vector<640x64xf32>
    %mul3A_63 = arith.mulf %concatenate3A_62, %get3A_1 : vector<640x64xf32>
    %dot_general3A_64 = arith.constant dense<0.000000e+00> : vector<640x160xf32>
    %dot_general3A_65 = tpu.matmul %mul3A_63, %get3A_55, %dot_general3A_64 {dimension_numbers = #tpu.dot_dimension_numbers<[1], [1], [0], [0], [0, 0, 1, 0], [], []>, transpose_lhs_hint = false} : vector<640x64xf32>, vector<160x64xf32>, vector<640x160xf32> -> vector<640x160xf32>
    %dot_general3A_66 = arith.constant dense<0.000000e+00> : vector<160x160xf32>
    %dot_general3A_67 = tpu.matmul %reshape3A_61, %get3A_4, %dot_general3A_66 {dimension_numbers = #tpu.dot_dimension_numbers<[1], [0], [0], [1], [0, 0, 1, 1], [], []>, transpose_lhs_hint = false} : vector<160x20xf32>, vector<20x160xf32>, vector<160x160xf32> -> vector<160x160xf32>
    %eq3A_68 = arith.constant 1.000000e+00 : f32
    %eq3A_69 = vector.broadcast %eq3A_68 : f32 to vector<160x160xf32>
    %eq3A_70 = arith.cmpf oeq, %dot_general3A_67, %eq3A_69 : vector<160x160xf32>
    %slice3A_71 = vector.extract_strided_slice %dot_general3A_65 {offsets = [0, 0], sizes = [160, 160], strides = [1, 1]} : vector<640x160xf32> to vector<160x160xf32>
    %eq3A_72 = arith.constant 2.000000e+00 : f32
    %eq3A_73 = vector.broadcast %eq3A_72 : f32 to vector<160x160xf32>
    %eq3A_74 = arith.cmpf oeq, %dot_general3A_67, %eq3A_73 : vector<160x160xf32>
    %slice3A_75 = vector.extract_strided_slice %dot_general3A_65 {offsets = [160, 0], sizes = [160, 160], strides = [1, 1]} : vector<640x160xf32> to vector<160x160xf32>
    %eq3A_76 = arith.constant 3.000000e+00 : f32
    %eq3A_77 = vector.broadcast %eq3A_76 : f32 to vector<160x160xf32>
    %eq3A_78 = arith.cmpf oeq, %dot_general3A_67, %eq3A_77 : vector<160x160xf32>
    %slice3A_79 = vector.extract_strided_slice %dot_general3A_65 {offsets = [320, 0], sizes = [160, 160], strides = [1, 1]} : vector<640x160xf32> to vector<160x160xf32>
    %eq3A_80 = arith.constant 4.000000e+00 : f32
    %eq3A_81 = vector.broadcast %eq3A_80 : f32 to vector<160x160xf32>
    %eq3A_82 = arith.cmpf oeq, %dot_general3A_67, %eq3A_81 : vector<160x160xf32>
    %slice3A_83 = vector.extract_strided_slice %dot_general3A_65 {offsets = [480, 0], sizes = [160, 160], strides = [1, 1]} : vector<640x160xf32> to vector<160x160xf32>
    %jit3A_84 = arith.constant -9.000000e+15 : f32
    %broadcast_in_dim3A_85 = vector.broadcast %jit3A_84 : f32 to vector<160x160xf32>
    %select_n3A_86 = arith.select %eq3A_82, %slice3A_83, %broadcast_in_dim3A_85 : vector<160x160xi1>, vector<160x160xf32>
    %select_n3A_87 = arith.select %eq3A_78, %slice3A_79, %select_n3A_86 : vector<160x160xi1>, vector<160x160xf32>
    %select_n3A_88 = arith.select %eq3A_74, %slice3A_75, %select_n3A_87 : vector<160x160xi1>, vector<160x160xf32>
    %select_n3A_89 = arith.select %eq3A_70, %slice3A_71, %select_n3A_88 : vector<160x160xi1>, vector<160x160xf32>
    %mul3A_90 = arith.constant 2.000000e-01 : f32
    %mul3A_91 = vector.broadcast %mul3A_90 : f32 to vector<160x160xf32>
    %mul3A_92 = arith.mulf %mul3A_91, %select_n3A_89 : vector<160x160xf32>
    %max3A_93 = arith.maximumf %select_n3A_89, %mul3A_92 : vector<160x160xf32>
    %add3A_94 = arith.addf %max3A_93, %get3A_7 : vector<160x160xf32>
    %reduce_max3A_95 = arith.constant dense<0xFF800000> : vector<160xf32>
    %reduce_max3A_96 = vector.multi_reduction <maximumf>, %add3A_94, %reduce_max3A_95 [1] : vector<160x160xf32> to vector<160xf32>
    %broadcast_in_dim3A_97 = vector.shape_cast %reduce_max3A_96 : vector<160xf32> to vector<160x1xf32>
    %sub3A_98 = vector.broadcast %broadcast_in_dim3A_97 : vector<160x1xf32> to vector<160x160xf32>
    %sub3A_99 = arith.subf %add3A_94, %sub3A_98 : vector<160x160xf32>
    %exp3A_100 = math.exp %sub3A_99 : vector<160x160xf32>
    %reduce_sum3A_101 = arith.constant dense<0.000000e+00> : vector<160xf32>
    %reduce_sum3A_102 = vector.multi_reduction <add>, %exp3A_100, %reduce_sum3A_101 [1] : vector<160x160xf32> to vector<160xf32>
    %broadcast_in_dim3A_103 = vector.shape_cast %reduce_sum3A_102 : vector<160xf32> to vector<160x1xf32>
    %dot_general3A_104 = arith.constant dense<0.000000e+00> : vector<160x64xf32>
    %dot_general3A_105 = tpu.matmul %exp3A_100, %get3A_55, %dot_general3A_104 {dimension_numbers = #tpu.dot_dimension_numbers<[1], [0], [0], [1], [0, 0, 1, 1], [], []>, transpose_lhs_hint = false} : vector<160x160xf32>, vector<160x64xf32>, vector<160x64xf32> -> vector<160x64xf32>
    %div3A_106 = arith.constant 1.000000e+00 : f32
    %div3A_107 = vector.broadcast %div3A_106 : f32 to vector<160x1xf32>
    %div3A_108 = arith.divf %div3A_107, %broadcast_in_dim3A_103 : vector<160x1xf32>
    %mul3A_109 = vector.broadcast %div3A_108 : vector<160x1xf32> to vector<160x64xf32>
    %mul3A_110 = arith.mulf %dot_general3A_105, %mul3A_109 : vector<160x64xf32>
    %reshape3A_111 = vector.shape_cast %mul3A_110 : vector<160x64xf32> to vector<8x20x64xf32>
    %swap3A_112 = arith.constant 8 : index
    %swap3A_113 = arith.constant 0 : index
    %swap3A_114 = arith.constant 0 : index
    %swap3A_115 = vector.load %arg6[%swap3A_112, %swap3A_113, %swap3A_114] : memref<64x20x64xf32, #tpu.memory_space<vmem>>, vector<8x20x64xf32>
    tpu.vector_store %arg6[%swap3A_112, %swap3A_113, %swap3A_114], %reshape3A_111 {strides = array<i32>} : memref<64x20x64xf32, #tpu.memory_space<vmem>>, vector<8x20x64xf32>,
    %get3A_116 = arith.constant 320 : index
    %get3A_117 = arith.constant 0 : index
    %get3A_118 = vector.load %arg1[%get3A_116, %get3A_117] : memref<1280x128xf32, #tpu.memory_space<vmem>>, vector<160x64xf32>
    %get3A_119 = arith.constant 16 : index
    %get3A_120 = arith.constant 0 : index
    %get3A_121 = arith.constant 0 : index
    %get3A_122 = vector.load %arg2[%get3A_119, %get3A_120, %get3A_121] : memref<64x20x20xi32, #tpu.memory_space<vmem>>, vector<8x20x20xi32>
    %convert_element_type3A_123 = arith.sitofp %get3A_122 : vector<8x20x20xi32> to vector<8x20x20xf32>
    %reshape3A_124 = vector.shape_cast %convert_element_type3A_123 : vector<8x20x20xf32> to vector<160x20xf32>
    %concatenate3A_125 = tpu.concatenate %get3A_118, %get3A_118, %get3A_118, %get3A_118 in 0 : vector<160x64xf32>, vector<160x64xf32>, vector<160x64xf32>, vector<160x64xf32> -> vector<640x64xf32>
    %mul3A_126 = arith.mulf %concatenate3A_125, %get3A_1 : vector<640x64xf32>
    %dot_general3A_127 = arith.constant dense<0.000000e+00> : vector<640x160xf32>
    %dot_general3A_128 = tpu.matmul %mul3A_126, %get3A_118, %dot_general3A_127 {dimension_numbers = #tpu.dot_dimension_numbers<[1], [1], [0], [0], [0, 0, 1, 0], [], []>, transpose_lhs_hint = false} : vector<640x64xf32>, vector<160x64xf32>, vector<640x160xf32> -> vector<640x160xf32>
    %dot_general3A_129 = arith.constant dense<0.000000e+00> : vector<160x160xf32>
    %dot_general3A_130 = tpu.matmul %reshape3A_124, %get3A_4, %dot_general3A_129 {dimension_numbers = #tpu.dot_dimension_numbers<[1], [0], [0], [1], [0, 0, 1, 1], [], []>, transpose_lhs_hint = false} : vector<160x20xf32>, vector<20x160xf32>, vector<160x160xf32> -> vector<160x160xf32>
    %eq3A_131 = arith.constant 1.000000e+00 : f32
    %eq3A_132 = vector.broadcast %eq3A_131 : f32 to vector<160x160xf32>
    %eq3A_133 = arith.cmpf oeq, %dot_general3A_130, %eq3A_132 : vector<160x160xf32>
    %slice3A_134 = vector.extract_strided_slice %dot_general3A_128 {offsets = [0, 0], sizes = [160, 160], strides = [1, 1]} : vector<640x160xf32> to vector<160x160xf32>
    %eq3A_135 = arith.constant 2.000000e+00 : f32
    %eq3A_136 = vector.broadcast %eq3A_135 : f32 to vector<160x160xf32>
    %eq3A_137 = arith.cmpf oeq, %dot_general3A_130, %eq3A_136 : vector<160x160xf32>
    %slice3A_138 = vector.extract_strided_slice %dot_general3A_128 {offsets = [160, 0], sizes = [160, 160], strides = [1, 1]} : vector<640x160xf32> to vector<160x160xf32>
    %eq3A_139 = arith.constant 3.000000e+00 : f32
    %eq3A_140 = vector.broadcast %eq3A_139 : f32 to vector<160x160xf32>
    %eq3A_141 = arith.cmpf oeq, %dot_general3A_130, %eq3A_140 : vector<160x160xf32>
    %slice3A_142 = vector.extract_strided_slice %dot_general3A_128 {offsets = [320, 0], sizes = [160, 160], strides = [1, 1]} : vector<640x160xf32> to vector<160x160xf32>
    %eq3A_143 = arith.constant 4.000000e+00 : f32
    %eq3A_144 = vector.broadcast %eq3A_143 : f32 to vector<160x160xf32>
    %eq3A_145 = arith.cmpf oeq, %dot_general3A_130, %eq3A_144 : vector<160x160xf32>
    %slice3A_146 = vector.extract_strided_slice %dot_general3A_128 {offsets = [480, 0], sizes = [160, 160], strides = [1, 1]} : vector<640x160xf32> to vector<160x160xf32>
    %jit3A_147 = arith.constant -9.000000e+15 : f32
    %broadcast_in_dim3A_148 = vector.broadcast %jit3A_147 : f32 to vector<160x160xf32>
    %select_n3A_149 = arith.select %eq3A_145, %slice3A_146, %broadcast_in_dim3A_148 : vector<160x160xi1>, vector<160x160xf32>
    %select_n3A_150 = arith.select %eq3A_141, %slice3A_142, %select_n3A_149 : vector<160x160xi1>, vector<160x160xf32>
    %select_n3A_151 = arith.select %eq3A_137, %slice3A_138, %select_n3A_150 : vector<160x160xi1>, vector<160x160xf32>
    %select_n3A_152 = arith.select %eq3A_133, %slice3A_134, %select_n3A_151 : vector<160x160xi1>, vector<160x160xf32>
    %mul3A_153 = arith.constant 2.000000e-01 : f32
    %mul3A_154 = vector.broadcast %mul3A_153 : f32 to vector<160x160xf32>
    %mul3A_155 = arith.mulf %mul3A_154, %select_n3A_152 : vector<160x160xf32>
    %max3A_156 = arith.maximumf %select_n3A_152, %mul3A_155 : vector<160x160xf32>
    %add3A_157 = arith.addf %max3A_156, %get3A_7 : vector<160x160xf32>
    %reduce_max3A_158 = arith.constant dense<0xFF800000> : vector<160xf32>
    %reduce_max3A_159 = vector.multi_reduction <maximumf>, %add3A_157, %reduce_max3A_158 [1] : vector<160x160xf32> to vector<160xf32>
    %broadcast_in_dim3A_160 = vector.shape_cast %reduce_max3A_159 : vector<160xf32> to vector<160x1xf32>
    %sub3A_161 = vector.broadcast %broadcast_in_dim3A_160 : vector<160x1xf32> to vector<160x160xf32>
    %sub3A_162 = arith.subf %add3A_157, %sub3A_161 : vector<160x160xf32>
    %exp3A_163 = math.exp %sub3A_162 : vector<160x160xf32>
    %reduce_sum3A_164 = arith.constant dense<0.000000e+00> : vector<160xf32>
    %reduce_sum3A_165 = vector.multi_reduction <add>, %exp3A_163, %reduce_sum3A_164 [1] : vector<160x160xf32> to vector<160xf32>
    %broadcast_in_dim3A_166 = vector.shape_cast %reduce_sum3A_165 : vector<160xf32> to vector<160x1xf32>
    %dot_general3A_167 = arith.constant dense<0.000000e+00> : vector<160x64xf32>
    %dot_general3A_168 = tpu.matmul %exp3A_163, %get3A_118, %dot_general3A_167 {dimension_numbers = #tpu.dot_dimension_numbers<[1], [0], [0], [1], [0, 0, 1, 1], [], []>, transpose_lhs_hint = false} : vector<160x160xf32>, vector<160x64xf32>, vector<160x64xf32> -> vector<160x64xf32>
    %div3A_169 = arith.constant 1.000000e+00 : f32
    %div3A_170 = vector.broadcast %div3A_169 : f32 to vector<160x1xf32>
    %div3A_171 = arith.divf %div3A_170, %broadcast_in_dim3A_166 : vector<160x1xf32>
    %mul3A_172 = vector.broadcast %div3A_171 : vector<160x1xf32> to vector<160x64xf32>
    %mul3A_173 = arith.mulf %dot_general3A_168, %mul3A_172 : vector<160x64xf32>
    %reshape3A_174 = vector.shape_cast %mul3A_173 : vector<160x64xf32> to vector<8x20x64xf32>
    %swap3A_175 = arith.constant 16 : index
    %swap3A_176 = arith.constant 0 : index
    %swap3A_177 = arith.constant 0 : index
    %swap3A_178 = vector.load %arg6[%swap3A_175, %swap3A_176, %swap3A_177] : memref<64x20x64xf32, #tpu.memory_space<vmem>>, vector<8x20x64xf32>
    tpu.vector_store %arg6[%swap3A_175, %swap3A_176, %swap3A_177], %reshape3A_174 {strides = array<i32>} : memref<64x20x64xf32, #tpu.memory_space<vmem>>, vector<8x20x64xf32>,
    %get3A_179 = arith.constant 480 : index
    %get3A_180 = arith.constant 0 : index
    %get3A_181 = vector.load %arg1[%get3A_179, %get3A_180] : memref<1280x128xf32, #tpu.memory_space<vmem>>, vector<160x64xf32>
    %get3A_182 = arith.constant 24 : index
    %get3A_183 = arith.constant 0 : index
    %get3A_184 = arith.constant 0 : index
    %get3A_185 = vector.load %arg2[%get3A_182, %get3A_183, %get3A_184] : memref<64x20x20xi32, #tpu.memory_space<vmem>>, vector<8x20x20xi32>
    %convert_element_type3A_186 = arith.sitofp %get3A_185 : vector<8x20x20xi32> to vector<8x20x20xf32>
    %reshape3A_187 = vector.shape_cast %convert_element_type3A_186 : vector<8x20x20xf32> to vector<160x20xf32>
    %concatenate3A_188 = tpu.concatenate %get3A_181, %get3A_181, %get3A_181, %get3A_181 in 0 : vector<160x64xf32>, vector<160x64xf32>, vector<160x64xf32>, vector<160x64xf32> -> vector<640x64xf32>
    %mul3A_189 = arith.mulf %concatenate3A_188, %get3A_1 : vector<640x64xf32>
    %dot_general3A_190 = arith.constant dense<0.000000e+00> : vector<640x160xf32>
    %dot_general3A_191 = tpu.matmul %mul3A_189, %get3A_181, %dot_general3A_190 {dimension_numbers = #tpu.dot_dimension_numbers<[1], [1], [0], [0], [0, 0, 1, 0], [], []>, transpose_lhs_hint = false} : vector<640x64xf32>, vector<160x64xf32>, vector<640x160xf32> -> vector<640x160xf32>
    %dot_general3A_192 = arith.constant dense<0.000000e+00> : vector<160x160xf32>
    %dot_general3A_193 = tpu.matmul %reshape3A_187, %get3A_4, %dot_general3A_192 {dimension_numbers = #tpu.dot_dimension_numbers<[1], [0], [0], [1], [0, 0, 1, 1], [], []>, transpose_lhs_hint = false} : vector<160x20xf32>, vector<20x160xf32>, vector<160x160xf32> -> vector<160x160xf32>
    %eq3A_194 = arith.constant 1.000000e+00 : f32
    %eq3A_195 = vector.broadcast %eq3A_194 : f32 to vector<160x160xf32>
    %eq3A_196 = arith.cmpf oeq, %dot_general3A_193, %eq3A_195 : vector<160x160xf32>
    %slice3A_197 = vector.extract_strided_slice %dot_general3A_191 {offsets = [0, 0], sizes = [160, 160], strides = [1, 1]} : vector<640x160xf32> to vector<160x160xf32>
    %eq3A_198 = arith.constant 2.000000e+00 : f32
    %eq3A_199 = vector.broadcast %eq3A_198 : f32 to vector<160x160xf32>
    %eq3A_200 = arith.cmpf oeq, %dot_general3A_193, %eq3A_199 : vector<160x160xf32>
    %slice3A_201 = vector.extract_strided_slice %dot_general3A_191 {offsets = [160, 0], sizes = [160, 160], strides = [1, 1]} : vector<640x160xf32> to vector<160x160xf32>
    %eq3A_202 = arith.constant 3.000000e+00 : f32
    %eq3A_203 = vector.broadcast %eq3A_202 : f32 to vector<160x160xf32>
    %eq3A_204 = arith.cmpf oeq, %dot_general3A_193, %eq3A_203 : vector<160x160xf32>
    %slice3A_205 = vector.extract_strided_slice %dot_general3A_191 {offsets = [320, 0], sizes = [160, 160], strides = [1, 1]} : vector<640x160xf32> to vector<160x160xf32>
    %eq3A_206 = arith.constant 4.000000e+00 : f32
    %eq3A_207 = vector.broadcast %eq3A_206 : f32 to vector<160x160xf32>
    %eq3A_208 = arith.cmpf oeq, %dot_general3A_193, %eq3A_207 : vector<160x160xf32>
    %slice3A_209 = vector.extract_strided_slice %dot_general3A_191 {offsets = [480, 0], sizes = [160, 160], strides = [1, 1]} : vector<640x160xf32> to vector<160x160xf32>
    %jit3A_210 = arith.constant -9.000000e+15 : f32
    %broadcast_in_dim3A_211 = vector.broadcast %jit3A_210 : f32 to vector<160x160xf32>
    %select_n3A_212 = arith.select %eq3A_208, %slice3A_209, %broadcast_in_dim3A_211 : vector<160x160xi1>, vector<160x160xf32>
    %select_n3A_213 = arith.select %eq3A_204, %slice3A_205, %select_n3A_212 : vector<160x160xi1>, vector<160x160xf32>
    %select_n3A_214 = arith.select %eq3A_200, %slice3A_201, %select_n3A_213 : vector<160x160xi1>, vector<160x160xf32>
    %select_n3A_215 = arith.select %eq3A_196, %slice3A_197, %select_n3A_214 : vector<160x160xi1>, vector<160x160xf32>
    %mul3A_216 = arith.constant 2.000000e-01 : f32
    %mul3A_217 = vector.broadcast %mul3A_216 : f32 to vector<160x160xf32>
    %mul3A_218 = arith.mulf %mul3A_217, %select_n3A_215 : vector<160x160xf32>
    %max3A_219 = arith.maximumf %select_n3A_215, %mul3A_218 : vector<160x160xf32>
    %add3A_220 = arith.addf %max3A_219, %get3A_7 : vector<160x160xf32>
    %reduce_max3A_221 = arith.constant dense<0xFF800000> : vector<160xf32>
    %reduce_max3A_222 = vector.multi_reduction <maximumf>, %add3A_220, %reduce_max3A_221 [1] : vector<160x160xf32> to vector<160xf32>
    %broadcast_in_dim3A_223 = vector.shape_cast %reduce_max3A_222 : vector<160xf32> to vector<160x1xf32>
    %sub3A_224 = vector.broadcast %broadcast_in_dim3A_223 : vector<160x1xf32> to vector<160x160xf32>
    %sub3A_225 = arith.subf %add3A_220, %sub3A_224 : vector<160x160xf32>
    %exp3A_226 = math.exp %sub3A_225 : vector<160x160xf32>
    %reduce_sum3A_227 = arith.constant dense<0.000000e+00> : vector<160xf32>
    %reduce_sum3A_228 = vector.multi_reduction <add>, %exp3A_226, %reduce_sum3A_227 [1] : vector<160x160xf32> to vector<160xf32>
    %broadcast_in_dim3A_229 = vector.shape_cast %reduce_sum3A_228 : vector<160xf32> to vector<160x1xf32>
    %dot_general3A_230 = arith.constant dense<0.000000e+00> : vector<160x64xf32>
    %dot_general3A_231 = tpu.matmul %exp3A_226, %get3A_181, %dot_general3A_230 {dimension_numbers = #tpu.dot_dimension_numbers<[1], [0], [0], [1], [0, 0, 1, 1], [], []>, transpose_lhs_hint = false} : vector<160x160xf32>, vector<160x64xf32>, vector<160x64xf32> -> vector<160x64xf32>
    %div3A_232 = arith.constant 1.000000e+00 : f32
    %div3A_233 = vector.broadcast %div3A_232 : f32 to vector<160x1xf32>
    %div3A_234 = arith.divf %div3A_233, %broadcast_in_dim3A_229 : vector<160x1xf32>
    %mul3A_235 = vector.broadcast %div3A_234 : vector<160x1xf32> to vector<160x64xf32>
    %mul3A_236 = arith.mulf %dot_general3A_231, %mul3A_235 : vector<160x64xf32>
    %reshape3A_237 = vector.shape_cast %mul3A_236 : vector<160x64xf32> to vector<8x20x64xf32>
    %swap3A_238 = arith.constant 24 : index
    %swap3A_239 = arith.constant 0 : index
    %swap3A_240 = arith.constant 0 : index
    %swap3A_241 = vector.load %arg6[%swap3A_238, %swap3A_239, %swap3A_240] : memref<64x20x64xf32, #tpu.memory_space<vmem>>, vector<8x20x64xf32>
    tpu.vector_store %arg6[%swap3A_238, %swap3A_239, %swap3A_240], %reshape3A_237 {strides = array<i32>} : memref<64x20x64xf32, #tpu.memory_space<vmem>>, vector<8x20x64xf32>,
    %get3A_242 = arith.constant 640 : index
    %get3A_243 = arith.constant 0 : index
    %get3A_244 = vector.load %arg1[%get3A_242, %get3A_243] : memref<1280x128xf32, #tpu.memory_space<vmem>>, vector<160x64xf32>
    %get3A_245 = arith.constant 32 : index
    %get3A_246 = arith.constant 0 : index
    %get3A_247 = arith.constant 0 : index
    %get3A_248 = vector.load %arg2[%get3A_245, %get3A_246, %get3A_247] : memref<64x20x20xi32, #tpu.memory_space<vmem>>, vector<8x20x20xi32>
    %convert_element_type3A_249 = arith.sitofp %get3A_248 : vector<8x20x20xi32> to vector<8x20x20xf32>
    %reshape3A_250 = vector.shape_cast %convert_element_type3A_249 : vector<8x20x20xf32> to vector<160x20xf32>
    %concatenate3A_251 = tpu.concatenate %get3A_244, %get3A_244, %get3A_244, %get3A_244 in 0 : vector<160x64xf32>, vector<160x64xf32>, vector<160x64xf32>, vector<160x64xf32> -> vector<640x64xf32>
    %mul3A_252 = arith.mulf %concatenate3A_251, %get3A_1 : vector<640x64xf32>
    %dot_general3A_253 = arith.constant dense<0.000000e+00> : vector<640x160xf32>
    %dot_general3A_254 = tpu.matmul %mul3A_252, %get3A_244, %dot_general3A_253 {dimension_numbers = #tpu.dot_dimension_numbers<[1], [1], [0], [0], [0, 0, 1, 0], [], []>, transpose_lhs_hint = false} : vector<640x64xf32>, vector<160x64xf32>, vector<640x160xf32> -> vector<640x160xf32>
    %dot_general3A_255 = arith.constant dense<0.000000e+00> : vector<160x160xf32>
    %dot_general3A_256 = tpu.matmul %reshape3A_250, %get3A_4, %dot_general3A_255 {dimension_numbers = #tpu.dot_dimension_numbers<[1], [0], [0], [1], [0, 0, 1, 1], [], []>, transpose_lhs_hint = false} : vector<160x20xf32>, vector<20x160xf32>, vector<160x160xf32> -> vector<160x160xf32>
    %eq3A_257 = arith.constant 1.000000e+00 : f32
    %eq3A_258 = vector.broadcast %eq3A_257 : f32 to vector<160x160xf32>
    %eq3A_259 = arith.cmpf oeq, %dot_general3A_256, %eq3A_258 : vector<160x160xf32>
    %slice3A_260 = vector.extract_strided_slice %dot_general3A_254 {offsets = [0, 0], sizes = [160, 160], strides = [1, 1]} : vector<640x160xf32> to vector<160x160xf32>
    %eq3A_261 = arith.constant 2.000000e+00 : f32
    %eq3A_262 = vector.broadcast %eq3A_261 : f32 to vector<160x160xf32>
    %eq3A_263 = arith.cmpf oeq, %dot_general3A_256, %eq3A_262 : vector<160x160xf32>
    %slice3A_264 = vector.extract_strided_slice %dot_general3A_254 {offsets = [160, 0], sizes = [160, 160], strides = [1, 1]} : vector<640x160xf32> to vector<160x160xf32>
    %eq3A_265 = arith.constant 3.000000e+00 : f32
    %eq3A_266 = vector.broadcast %eq3A_265 : f32 to vector<160x160xf32>
    %eq3A_267 = arith.cmpf oeq, %dot_general3A_256, %eq3A_266 : vector<160x160xf32>
    %slice3A_268 = vector.extract_strided_slice %dot_general3A_254 {offsets = [320, 0], sizes = [160, 160], strides = [1, 1]} : vector<640x160xf32> to vector<160x160xf32>
    %eq3A_269 = arith.constant 4.000000e+00 : f32
    %eq3A_270 = vector.broadcast %eq3A_269 : f32 to vector<160x160xf32>
    %eq3A_271 = arith.cmpf oeq, %dot_general3A_256, %eq3A_270 : vector<160x160xf32>
    %slice3A_272 = vector.extract_strided_slice %dot_general3A_254 {offsets = [480, 0], sizes = [160, 160], strides = [1, 1]} : vector<640x160xf32> to vector<160x160xf32>
    %jit3A_273 = arith.constant -9.000000e+15 : f32
    %broadcast_in_dim3A_274 = vector.broadcast %jit3A_273 : f32 to vector<160x160xf32>
    %select_n3A_275 = arith.select %eq3A_271, %slice3A_272, %broadcast_in_dim3A_274 : vector<160x160xi1>, vector<160x160xf32>
    %select_n3A_276 = arith.select %eq3A_267, %slice3A_268, %select_n3A_275 : vector<160x160xi1>, vector<160x160xf32>
    %select_n3A_277 = arith.select %eq3A_263, %slice3A_264, %select_n3A_276 : vector<160x160xi1>, vector<160x160xf32>
    %select_n3A_278 = arith.select %eq3A_259, %slice3A_260, %select_n3A_277 : vector<160x160xi1>, vector<160x160xf32>
    %mul3A_279 = arith.constant 2.000000e-01 : f32
    %mul3A_280 = vector.broadcast %mul3A_279 : f32 to vector<160x160xf32>
    %mul3A_281 = arith.mulf %mul3A_280, %select_n3A_278 : vector<160x160xf32>
    %max3A_282 = arith.maximumf %select_n3A_278, %mul3A_281 : vector<160x160xf32>
    %add3A_283 = arith.addf %max3A_282, %get3A_7 : vector<160x160xf32>
    %reduce_max3A_284 = arith.constant dense<0xFF800000> : vector<160xf32>
    %reduce_max3A_285 = vector.multi_reduction <maximumf>, %add3A_283, %reduce_max3A_284 [1] : vector<160x160xf32> to vector<160xf32>
    %broadcast_in_dim3A_286 = vector.shape_cast %reduce_max3A_285 : vector<160xf32> to vector<160x1xf32>
    %sub3A_287 = vector.broadcast %broadcast_in_dim3A_286 : vector<160x1xf32> to vector<160x160xf32>
    %sub3A_288 = arith.subf %add3A_283, %sub3A_287 : vector<160x160xf32>
    %exp3A_289 = math.exp %sub3A_288 : vector<160x160xf32>
    %reduce_sum3A_290 = arith.constant dense<0.000000e+00> : vector<160xf32>
    %reduce_sum3A_291 = vector.multi_reduction <add>, %exp3A_289, %reduce_sum3A_290 [1] : vector<160x160xf32> to vector<160xf32>
    %broadcast_in_dim3A_292 = vector.shape_cast %reduce_sum3A_291 : vector<160xf32> to vector<160x1xf32>
    %dot_general3A_293 = arith.constant dense<0.000000e+00> : vector<160x64xf32>
    %dot_general3A_294 = tpu.matmul %exp3A_289, %get3A_244, %dot_general3A_293 {dimension_numbers = #tpu.dot_dimension_numbers<[1], [0], [0], [1], [0, 0, 1, 1], [], []>, transpose_lhs_hint = false} : vector<160x160xf32>, vector<160x64xf32>, vector<160x64xf32> -> vector<160x64xf32>
    %div3A_295 = arith.constant 1.000000e+00 : f32
    %div3A_296 = vector.broadcast %div3A_295 : f32 to vector<160x1xf32>
    %div3A_297 = arith.divf %div3A_296, %broadcast_in_dim3A_292 : vector<160x1xf32>
    %mul3A_298 = vector.broadcast %div3A_297 : vector<160x1xf32> to vector<160x64xf32>
    %mul3A_299 = arith.mulf %dot_general3A_294, %mul3A_298 : vector<160x64xf32>
    %reshape3A_300 = vector.shape_cast %mul3A_299 : vector<160x64xf32> to vector<8x20x64xf32>
    %swap3A_301 = arith.constant 32 : index
    %swap3A_302 = arith.constant 0 : index
    %swap3A_303 = arith.constant 0 : index
    %swap3A_304 = vector.load %arg6[%swap3A_301, %swap3A_302, %swap3A_303] : memref<64x20x64xf32, #tpu.memory_space<vmem>>, vector<8x20x64xf32>
    tpu.vector_store %arg6[%swap3A_301, %swap3A_302, %swap3A_303], %reshape3A_300 {strides = array<i32>} : memref<64x20x64xf32, #tpu.memory_space<vmem>>, vector<8x20x64xf32>,
    %get3A_305 = arith.constant 800 : index
    %get3A_306 = arith.constant 0 : index
    %get3A_307 = vector.load %arg1[%get3A_305, %get3A_306] : memref<1280x128xf32, #tpu.memory_space<vmem>>, vector<160x64xf32>
    %get3A_308 = arith.constant 40 : index
    %get3A_309 = arith.constant 0 : index
    %get3A_310 = arith.constant 0 : index
    %get3A_311 = vector.load %arg2[%get3A_308, %get3A_309, %get3A_310] : memref<64x20x20xi32, #tpu.memory_space<vmem>>, vector<8x20x20xi32>
    %convert_element_type3A_312 = arith.sitofp %get3A_311 : vector<8x20x20xi32> to vector<8x20x20xf32>
    %reshape3A_313 = vector.shape_cast %convert_element_type3A_312 : vector<8x20x20xf32> to vector<160x20xf32>
    %concatenate3A_314 = tpu.concatenate %get3A_307, %get3A_307, %get3A_307, %get3A_307 in 0 : vector<160x64xf32>, vector<160x64xf32>, vector<160x64xf32>, vector<160x64xf32> -> vector<640x64xf32>
    %mul3A_315 = arith.mulf %concatenate3A_314, %get3A_1 : vector<640x64xf32>
    %dot_general3A_316 = arith.constant dense<0.000000e+00> : vector<640x160xf32>
    %dot_general3A_317 = tpu.matmul %mul3A_315, %get3A_307, %dot_general3A_316 {dimension_numbers = #tpu.dot_dimension_numbers<[1], [1], [0], [0], [0, 0, 1, 0], [], []>, transpose_lhs_hint = false} : vector<640x64xf32>, vector<160x64xf32>, vector<640x160xf32> -> vector<640x160xf32>
    %dot_general3A_318 = arith.constant dense<0.000000e+00> : vector<160x160xf32>
    %dot_general3A_319 = tpu.matmul %reshape3A_313, %get3A_4, %dot_general3A_318 {dimension_numbers = #tpu.dot_dimension_numbers<[1], [0], [0], [1], [0, 0, 1, 1], [], []>, transpose_lhs_hint = false} : vector<160x20xf32>, vector<20x160xf32>, vector<160x160xf32> -> vector<160x160xf32>
    %eq3A_320 = arith.constant 1.000000e+00 : f32
    %eq3A_321 = vector.broadcast %eq3A_320 : f32 to vector<160x160xf32>
    %eq3A_322 = arith.cmpf oeq, %dot_general3A_319, %eq3A_321 : vector<160x160xf32>
    %slice3A_323 = vector.extract_strided_slice %dot_general3A_317 {offsets = [0, 0], sizes = [160, 160], strides = [1, 1]} : vector<640x160xf32> to vector<160x160xf32>
    %eq3A_324 = arith.constant 2.000000e+00 : f32
    %eq3A_325 = vector.broadcast %eq3A_324 : f32 to vector<160x160xf32>
    %eq3A_326 = arith.cmpf oeq, %dot_general3A_319, %eq3A_325 : vector<160x160xf32>
    %slice3A_327 = vector.extract_strided_slice %dot_general3A_317 {offsets = [160, 0], sizes = [160, 160], strides = [1, 1]} : vector<640x160xf32> to vector<160x160xf32>
    %eq3A_328 = arith.constant 3.000000e+00 : f32
    %eq3A_329 = vector.broadcast %eq3A_328 : f32 to vector<160x160xf32>
    %eq3A_330 = arith.cmpf oeq, %dot_general3A_319, %eq3A_329 : vector<160x160xf32>
    %slice3A_331 = vector.extract_strided_slice %dot_general3A_317 {offsets = [320, 0], sizes = [160, 160], strides = [1, 1]} : vector<640x160xf32> to vector<160x160xf32>
    %eq3A_332 = arith.constant 4.000000e+00 : f32
    %eq3A_333 = vector.broadcast %eq3A_332 : f32 to vector<160x160xf32>
    %eq3A_334 = arith.cmpf oeq, %dot_general3A_319, %eq3A_333 : vector<160x160xf32>
    %slice3A_335 = vector.extract_strided_slice %dot_general3A_317 {offsets = [480, 0], sizes = [160, 160], strides = [1, 1]} : vector<640x160xf32> to vector<160x160xf32>
    %jit3A_336 = arith.constant -9.000000e+15 : f32
    %broadcast_in_dim3A_337 = vector.broadcast %jit3A_336 : f32 to vector<160x160xf32>
    %select_n3A_338 = arith.select %eq3A_334, %slice3A_335, %broadcast_in_dim3A_337 : vector<160x160xi1>, vector<160x160xf32>
    %select_n3A_339 = arith.select %eq3A_330, %slice3A_331, %select_n3A_338 : vector<160x160xi1>, vector<160x160xf32>
    %select_n3A_340 = arith.select %eq3A_326, %slice3A_327, %select_n3A_339 : vector<160x160xi1>, vector<160x160xf32>
    %select_n3A_341 = arith.select %eq3A_322, %slice3A_323, %select_n3A_340 : vector<160x160xi1>, vector<160x160xf32>
    %mul3A_342 = arith.constant 2.000000e-01 : f32
    %mul3A_343 = vector.broadcast %mul3A_342 : f32 to vector<160x160xf32>
    %mul3A_344 = arith.mulf %mul3A_343, %select_n3A_341 : vector<160x160xf32>
    %max3A_345 = arith.maximumf %select_n3A_341, %mul3A_344 : vector<160x160xf32>
    %add3A_346 = arith.addf %max3A_345, %get3A_7 : vector<160x160xf32>
    %reduce_max3A_347 = arith.constant dense<0xFF800000> : vector<160xf32>
    %reduce_max3A_348 = vector.multi_reduction <maximumf>, %add3A_346, %reduce_max3A_347 [1] : vector<160x160xf32> to vector<160xf32>
    %broadcast_in_dim3A_349 = vector.shape_cast %reduce_max3A_348 : vector<160xf32> to vector<160x1xf32>
    %sub3A_350 = vector.broadcast %broadcast_in_dim3A_349 : vector<160x1xf32> to vector<160x160xf32>
    %sub3A_351 = arith.subf %add3A_346, %sub3A_350 : vector<160x160xf32>
    %exp3A_352 = math.exp %sub3A_351 : vector<160x160xf32>
    %reduce_sum3A_353 = arith.constant dense<0.000000e+00> : vector<160xf32>
    %reduce_sum3A_354 = vector.multi_reduction <add>, %exp3A_352, %reduce_sum3A_353 [1] : vector<160x160xf32> to vector<160xf32>
    %broadcast_in_dim3A_355 = vector.shape_cast %reduce_sum3A_354 : vector<160xf32> to vector<160x1xf32>
    %dot_general3A_356 = arith.constant dense<0.000000e+00> : vector<160x64xf32>
    %dot_general3A_357 = tpu.matmul %exp3A_352, %get3A_307, %dot_general3A_356 {dimension_numbers = #tpu.dot_dimension_numbers<[1], [0], [0], [1], [0, 0, 1, 1], [], []>, transpose_lhs_hint = false} : vector<160x160xf32>, vector<160x64xf32>, vector<160x64xf32> -> vector<160x64xf32>
    %div3A_358 = arith.constant 1.000000e+00 : f32
    %div3A_359 = vector.broadcast %div3A_358 : f32 to vector<160x1xf32>
    %div3A_360 = arith.divf %div3A_359, %broadcast_in_dim3A_355 : vector<160x1xf32>
    %mul3A_361 = vector.broadcast %div3A_360 : vector<160x1xf32> to vector<160x64xf32>
    %mul3A_362 = arith.mulf %dot_general3A_357, %mul3A_361 : vector<160x64xf32>
    %reshape3A_363 = vector.shape_cast %mul3A_362 : vector<160x64xf32> to vector<8x20x64xf32>
    %swap3A_364 = arith.constant 40 : index
    %swap3A_365 = arith.constant 0 : index
    %swap3A_366 = arith.constant 0 : index
    %swap3A_367 = vector.load %arg6[%swap3A_364, %swap3A_365, %swap3A_366] : memref<64x20x64xf32, #tpu.memory_space<vmem>>, vector<8x20x64xf32>
    tpu.vector_store %arg6[%swap3A_364, %swap3A_365, %swap3A_366], %reshape3A_363 {strides = array<i32>} : memref<64x20x64xf32, #tpu.memory_space<vmem>>, vector<8x20x64xf32>,
    %get3A_368 = arith.constant 960 : index
    %get3A_369 = arith.constant 0 : index
    %get3A_370 = vector.load %arg1[%get3A_368, %get3A_369] : memref<1280x128xf32, #tpu.memory_space<vmem>>, vector<160x64xf32>
    %get3A_371 = arith.constant 48 : index
    %get3A_372 = arith.constant 0 : index
    %get3A_373 = arith.constant 0 : index
    %get3A_374 = vector.load %arg2[%get3A_371, %get3A_372, %get3A_373] : memref<64x20x20xi32, #tpu.memory_space<vmem>>, vector<8x20x20xi32>
    %convert_element_type3A_375 = arith.sitofp %get3A_374 : vector<8x20x20xi32> to vector<8x20x20xf32>
    %reshape3A_376 = vector.shape_cast %convert_element_type3A_375 : vector<8x20x20xf32> to vector<160x20xf32>
    %concatenate3A_377 = tpu.concatenate %get3A_370, %get3A_370, %get3A_370, %get3A_370 in 0 : vector<160x64xf32>, vector<160x64xf32>, vector<160x64xf32>, vector<160x64xf32> -> vector<640x64xf32>
    %mul3A_378 = arith.mulf %concatenate3A_377, %get3A_1 : vector<640x64xf32>
    %dot_general3A_379 = arith.constant dense<0.000000e+00> : vector<640x160xf32>
    %dot_general3A_380 = tpu.matmul %mul3A_378, %get3A_370, %dot_general3A_379 {dimension_numbers = #tpu.dot_dimension_numbers<[1], [1], [0], [0], [0, 0, 1, 0], [], []>, transpose_lhs_hint = false} : vector<640x64xf32>, vector<160x64xf32>, vector<640x160xf32> -> vector<640x160xf32>
    %dot_general3A_381 = arith.constant dense<0.000000e+00> : vector<160x160xf32>
    %dot_general3A_382 = tpu.matmul %reshape3A_376, %get3A_4, %dot_general3A_381 {dimension_numbers = #tpu.dot_dimension_numbers<[1], [0], [0], [1], [0, 0, 1, 1], [], []>, transpose_lhs_hint = false} : vector<160x20xf32>, vector<20x160xf32>, vector<160x160xf32> -> vector<160x160xf32>
    %eq3A_383 = arith.constant 1.000000e+00 : f32
    %eq3A_384 = vector.broadcast %eq3A_383 : f32 to vector<160x160xf32>
    %eq3A_385 = arith.cmpf oeq, %dot_general3A_382, %eq3A_384 : vector<160x160xf32>
    %slice3A_386 = vector.extract_strided_slice %dot_general3A_380 {offsets = [0, 0], sizes = [160, 160], strides = [1, 1]} : vector<640x160xf32> to vector<160x160xf32>
    %eq3A_387 = arith.constant 2.000000e+00 : f32
    %eq3A_388 = vector.broadcast %eq3A_387 : f32 to vector<160x160xf32>
    %eq3A_389 = arith.cmpf oeq, %dot_general3A_382, %eq3A_388 : vector<160x160xf32>
    %slice3A_390 = vector.extract_strided_slice %dot_general3A_380 {offsets = [160, 0], sizes = [160, 160], strides = [1, 1]} : vector<640x160xf32> to vector<160x160xf32>
    %eq3A_391 = arith.constant 3.000000e+00 : f32
    %eq3A_392 = vector.broadcast %eq3A_391 : f32 to vector<160x160xf32>
    %eq3A_393 = arith.cmpf oeq, %dot_general3A_382, %eq3A_392 : vector<160x160xf32>
    %slice3A_394 = vector.extract_strided_slice %dot_general3A_380 {offsets = [320, 0], sizes = [160, 160], strides = [1, 1]} : vector<640x160xf32> to vector<160x160xf32>
    %eq3A_395 = arith.constant 4.000000e+00 : f32
    %eq3A_396 = vector.broadcast %eq3A_395 : f32 to vector<160x160xf32>
    %eq3A_397 = arith.cmpf oeq, %dot_general3A_382, %eq3A_396 : vector<160x160xf32>
    %slice3A_398 = vector.extract_strided_slice %dot_general3A_380 {offsets = [480, 0], sizes = [160, 160], strides = [1, 1]} : vector<640x160xf32> to vector<160x160xf32>
    %jit3A_399 = arith.constant -9.000000e+15 : f32
    %broadcast_in_dim3A_400 = vector.broadcast %jit3A_399 : f32 to vector<160x160xf32>
    %select_n3A_401 = arith.select %eq3A_397, %slice3A_398, %broadcast_in_dim3A_400 : vector<160x160xi1>, vector<160x160xf32>
    %select_n3A_402 = arith.select %eq3A_393, %slice3A_394, %select_n3A_401 : vector<160x160xi1>, vector<160x160xf32>
    %select_n3A_403 = arith.select %eq3A_389, %slice3A_390, %select_n3A_402 : vector<160x160xi1>, vector<160x160xf32>
    %select_n3A_404 = arith.select %eq3A_385, %slice3A_386, %select_n3A_403 : vector<160x160xi1>, vector<160x160xf32>
    %mul3A_405 = arith.constant 2.000000e-01 : f32
    %mul3A_406 = vector.broadcast %mul3A_405 : f32 to vector<160x160xf32>
    %mul3A_407 = arith.mulf %mul3A_406, %select_n3A_404 : vector<160x160xf32>
    %max3A_408 = arith.maximumf %select_n3A_404, %mul3A_407 : vector<160x160xf32>
    %add3A_409 = arith.addf %max3A_408, %get3A_7 : vector<160x160xf32>
    %reduce_max3A_410 = arith.constant dense<0xFF800000> : vector<160xf32>
    %reduce_max3A_411 = vector.multi_reduction <maximumf>, %add3A_409, %reduce_max3A_410 [1] : vector<160x160xf32> to vector<160xf32>
    %broadcast_in_dim3A_412 = vector.shape_cast %reduce_max3A_411 : vector<160xf32> to vector<160x1xf32>
    %sub3A_413 = vector.broadcast %broadcast_in_dim3A_412 : vector<160x1xf32> to vector<160x160xf32>
    %sub3A_414 = arith.subf %add3A_409, %sub3A_413 : vector<160x160xf32>
    %exp3A_415 = math.exp %sub3A_414 : vector<160x160xf32>
    %reduce_sum3A_416 = arith.constant dense<0.000000e+00> : vector<160xf32>
    %reduce_sum3A_417 = vector.multi_reduction <add>, %exp3A_415, %reduce_sum3A_416 [1] : vector<160x160xf32> to vector<160xf32>
    %broadcast_in_dim3A_418 = vector.shape_cast %reduce_sum3A_417 : vector<160xf32> to vector<160x1xf32>
    %dot_general3A_419 = arith.constant dense<0.000000e+00> : vector<160x64xf32>
    %dot_general3A_420 = tpu.matmul %exp3A_415, %get3A_370, %dot_general3A_419 {dimension_numbers = #tpu.dot_dimension_numbers<[1], [0], [0], [1], [0, 0, 1, 1], [], []>, transpose_lhs_hint = false} : vector<160x160xf32>, vector<160x64xf32>, vector<160x64xf32> -> vector<160x64xf32>
    %div3A_421 = arith.constant 1.000000e+00 : f32
    %div3A_422 = vector.broadcast %div3A_421 : f32 to vector<160x1xf32>
    %div3A_423 = arith.divf %div3A_422, %broadcast_in_dim3A_418 : vector<160x1xf32>
    %mul3A_424 = vector.broadcast %div3A_423 : vector<160x1xf32> to vector<160x64xf32>
    %mul3A_425 = arith.mulf %dot_general3A_420, %mul3A_424 : vector<160x64xf32>
    %reshape3A_426 = vector.shape_cast %mul3A_425 : vector<160x64xf32> to vector<8x20x64xf32>
    %swap3A_427 = arith.constant 48 : index
    %swap3A_428 = arith.constant 0 : index
    %swap3A_429 = arith.constant 0 : index
    %swap3A_430 = vector.load %arg6[%swap3A_427, %swap3A_428, %swap3A_429] : memref<64x20x64xf32, #tpu.memory_space<vmem>>, vector<8x20x64xf32>
    tpu.vector_store %arg6[%swap3A_427, %swap3A_428, %swap3A_429], %reshape3A_426 {strides = array<i32>} : memref<64x20x64xf32, #tpu.memory_space<vmem>>, vector<8x20x64xf32>,
    %get3A_431 = arith.constant 1120 : index
    %get3A_432 = arith.constant 0 : index
    %get3A_433 = vector.load %arg1[%get3A_431, %get3A_432] : memref<1280x128xf32, #tpu.memory_space<vmem>>, vector<160x64xf32>
    %get3A_434 = arith.constant 56 : index
    %get3A_435 = arith.constant 0 : index
    %get3A_436 = arith.constant 0 : index
    %get3A_437 = vector.load %arg2[%get3A_434, %get3A_435, %get3A_436] : memref<64x20x20xi32, #tpu.memory_space<vmem>>, vector<8x20x20xi32>
    %convert_element_type3A_438 = arith.sitofp %get3A_437 : vector<8x20x20xi32> to vector<8x20x20xf32>
    %reshape3A_439 = vector.shape_cast %convert_element_type3A_438 : vector<8x20x20xf32> to vector<160x20xf32>
    %concatenate3A_440 = tpu.concatenate %get3A_433, %get3A_433, %get3A_433, %get3A_433 in 0 : vector<160x64xf32>, vector<160x64xf32>, vector<160x64xf32>, vector<160x64xf32> -> vector<640x64xf32>
    %mul3A_441 = arith.mulf %concatenate3A_440, %get3A_1 : vector<640x64xf32>
    %dot_general3A_442 = arith.constant dense<0.000000e+00> : vector<640x160xf32>
    %dot_general3A_443 = tpu.matmul %mul3A_441, %get3A_433, %dot_general3A_442 {dimension_numbers = #tpu.dot_dimension_numbers<[1], [1], [0], [0], [0, 0, 1, 0], [], []>, transpose_lhs_hint = false} : vector<640x64xf32>, vector<160x64xf32>, vector<640x160xf32> -> vector<640x160xf32>
    %dot_general3A_444 = arith.constant dense<0.000000e+00> : vector<160x160xf32>
    %dot_general3A_445 = tpu.matmul %reshape3A_439, %get3A_4, %dot_general3A_444 {dimension_numbers = #tpu.dot_dimension_numbers<[1], [0], [0], [1], [0, 0, 1, 1], [], []>, transpose_lhs_hint = false} : vector<160x20xf32>, vector<20x160xf32>, vector<160x160xf32> -> vector<160x160xf32>
    %eq3A_446 = arith.constant 1.000000e+00 : f32
    %eq3A_447 = vector.broadcast %eq3A_446 : f32 to vector<160x160xf32>
    %eq3A_448 = arith.cmpf oeq, %dot_general3A_445, %eq3A_447 : vector<160x160xf32>
    %slice3A_449 = vector.extract_strided_slice %dot_general3A_443 {offsets = [0, 0], sizes = [160, 160], strides = [1, 1]} : vector<640x160xf32> to vector<160x160xf32>
    %eq3A_450 = arith.constant 2.000000e+00 : f32
    %eq3A_451 = vector.broadcast %eq3A_450 : f32 to vector<160x160xf32>
    %eq3A_452 = arith.cmpf oeq, %dot_general3A_445, %eq3A_451 : vector<160x160xf32>
    %slice3A_453 = vector.extract_strided_slice %dot_general3A_443 {offsets = [160, 0], sizes = [160, 160], strides = [1, 1]} : vector<640x160xf32> to vector<160x160xf32>
    %eq3A_454 = arith.constant 3.000000e+00 : f32
    %eq3A_455 = vector.broadcast %eq3A_454 : f32 to vector<160x160xf32>
    %eq3A_456 = arith.cmpf oeq, %dot_general3A_445, %eq3A_455 : vector<160x160xf32>
    %slice3A_457 = vector.extract_strided_slice %dot_general3A_443 {offsets = [320, 0], sizes = [160, 160], strides = [1, 1]} : vector<640x160xf32> to vector<160x160xf32>
    %eq3A_458 = arith.constant 4.000000e+00 : f32
    %eq3A_459 = vector.broadcast %eq3A_458 : f32 to vector<160x160xf32>
    %eq3A_460 = arith.cmpf oeq, %dot_general3A_445, %eq3A_459 : vector<160x160xf32>
    %slice3A_461 = vector.extract_strided_slice %dot_general3A_443 {offsets = [480, 0], sizes = [160, 160], strides = [1, 1]} : vector<640x160xf32> to vector<160x160xf32>
    %jit3A_462 = arith.constant -9.000000e+15 : f32
    %broadcast_in_dim3A_463 = vector.broadcast %jit3A_462 : f32 to vector<160x160xf32>
    %select_n3A_464 = arith.select %eq3A_460, %slice3A_461, %broadcast_in_dim3A_463 : vector<160x160xi1>, vector<160x160xf32>
    %select_n3A_465 = arith.select %eq3A_456, %slice3A_457, %select_n3A_464 : vector<160x160xi1>, vector<160x160xf32>
    %select_n3A_466 = arith.select %eq3A_452, %slice3A_453, %select_n3A_465 : vector<160x160xi1>, vector<160x160xf32>
    %select_n3A_467 = arith.select %eq3A_448, %slice3A_449, %select_n3A_466 : vector<160x160xi1>, vector<160x160xf32>
    %mul3A_468 = arith.constant 2.000000e-01 : f32
    %mul3A_469 = vector.broadcast %mul3A_468 : f32 to vector<160x160xf32>
    %mul3A_470 = arith.mulf %mul3A_469, %select_n3A_467 : vector<160x160xf32>
    %max3A_471 = arith.maximumf %select_n3A_467, %mul3A_470 : vector<160x160xf32>
    %add3A_472 = arith.addf %max3A_471, %get3A_7 : vector<160x160xf32>
    %reduce_max3A_473 = arith.constant dense<0xFF800000> : vector<160xf32>
    %reduce_max3A_474 = vector.multi_reduction <maximumf>, %add3A_472, %reduce_max3A_473 [1] : vector<160x160xf32> to vector<160xf32>
    %broadcast_in_dim3A_475 = vector.shape_cast %reduce_max3A_474 : vector<160xf32> to vector<160x1xf32>
    %sub3A_476 = vector.broadcast %broadcast_in_dim3A_475 : vector<160x1xf32> to vector<160x160xf32>
    %sub3A_477 = arith.subf %add3A_472, %sub3A_476 : vector<160x160xf32>
    %exp3A_478 = math.exp %sub3A_477 : vector<160x160xf32>
    %reduce_sum3A_479 = arith.constant dense<0.000000e+00> : vector<160xf32>
    %reduce_sum3A_480 = vector.multi_reduction <add>, %exp3A_478, %reduce_sum3A_479 [1] : vector<160x160xf32> to vector<160xf32>
    %broadcast_in_dim3A_481 = vector.shape_cast %reduce_sum3A_480 : vector<160xf32> to vector<160x1xf32>
    %dot_general3A_482 = arith.constant dense<0.000000e+00> : vector<160x64xf32>
    %dot_general3A_483 = tpu.matmul %exp3A_478, %get3A_433, %dot_general3A_482 {dimension_numbers = #tpu.dot_dimension_numbers<[1], [0], [0], [1], [0, 0, 1, 1], [], []>, transpose_lhs_hint = false} : vector<160x160xf32>, vector<160x64xf32>, vector<160x64xf32> -> vector<160x64xf32>
    %div3A_484 = arith.constant 1.000000e+00 : f32
    %div3A_485 = vector.broadcast %div3A_484 : f32 to vector<160x1xf32>
    %div3A_486 = arith.divf %div3A_485, %broadcast_in_dim3A_481 : vector<160x1xf32>
    %mul3A_487 = vector.broadcast %div3A_486 : vector<160x1xf32> to vector<160x64xf32>
    %mul3A_488 = arith.mulf %dot_general3A_483, %mul3A_487 : vector<160x64xf32>
    %reshape3A_489 = vector.shape_cast %mul3A_488 : vector<160x64xf32> to vector<8x20x64xf32>
    %swap3A_490 = arith.constant 56 : index
    %swap3A_491 = arith.constant 0 : index
    %swap3A_492 = arith.constant 0 : index
    %swap3A_493 = vector.load %arg6[%swap3A_490, %swap3A_491, %swap3A_492] : memref<64x20x64xf32, #tpu.memory_space<vmem>>, vector<8x20x64xf32>
    tpu.vector_store %arg6[%swap3A_490, %swap3A_491, %swap3A_492], %reshape3A_489 {strides = array<i32>} : memref<64x20x64xf32, #tpu.memory_space<vmem>>, vector<8x20x64xf32>,
    return
  }
  func.func @transform_0(%arg0: i32) -> (i32, i32) {
    %c0_i32 = arith.constant 0 : i32
    %c0_i32_0 = arith.constant 0 : i32
    return %arg0, %c0_i32 : i32, i32
  }
  func.func @transform_1(%arg0: i32) -> (i32, i32, i32) {
    %c0_i32 = arith.constant 0 : i32
    %c0_i32_0 = arith.constant 0 : i32
    %c0_i32_1 = arith.constant 0 : i32
    return %arg0, %c0_i32, %c0_i32_0 : i32, i32, i32
  }
  func.func @transform_2(%arg0: i32) -> (i32, i32) {
    %c0_i32 = arith.constant 0 : i32
    %c0_i32_0 = arith.constant 0 : i32
    %c0_i32_1 = arith.constant 0 : i32
    return %c0_i32, %c0_i32_0 : i32, i32
  }
  func.func @transform_3(%arg0: i32) -> (i32, i32) {
    %c0_i32 = arith.constant 0 : i32
    %c0_i32_0 = arith.constant 0 : i32
    %c0_i32_1 = arith.constant 0 : i32
    return %c0_i32, %c0_i32_0 : i32, i32
  }
  func.func @transform_4(%arg0: i32) -> (i32, i32) {
    %c0_i32 = arith.constant 0 : i32
    %c0_i32_0 = arith.constant 0 : i32
    %c0_i32_1 = arith.constant 0 : i32
    return %c0_i32, %c0_i32_0 : i32, i32
  }
  func.func @transform_5(%arg0: i32) -> (i32, i32, i32) {
    %c0_i32 = arith.constant 0 : i32
    %c0_i32_0 = arith.constant 0 : i32
    %c0_i32_1 = arith.constant 0 : i32
    return %arg0, %c0_i32, %c0_i32_0 : i32, i32, i32
  }
}

</mosaic_0001>

<sc_bundles>
// kernel: kernel.4.cloned.1.call-start
scs
__scs_entry_jumppad:
0x0: {  	(pc) =	sbr.rel $0x88, $3  }
0x1: {  	(tag) =	ssettag $0x0;
	lr =	simm.s32 $0x1  }
0x2: {  	[smem:$0x3F9A] =	sst lr;
	_ =	strace $0xD0000000  }
0x3: {  	_ = 	snop  }
0x4: {  	_ = 	snop  }
0x5: {  	_ = 	snop  }
0x6: {  	_ = 	snop  }
0x7: {  	_ = 	snop  }
__scs_overlays_trampoline_lowered:
0x8: {  	[smem:$0x3FA9] =	sst s0  }
0x9: {  	[smem:$0x3FAA] =	sst s1  }
0xa: {  	[smem:$0x3FAB] =	sst s2  }
0xb: {  	[smem:$0x3FAC] =	sst s3  }
0xc: {  	[smem:$0x3FAD] =	sst s4  }
0xd: {  	[smem:$0x3FAE] =	sst s5  }
0xe: {  	[smem:$0x3FAF] =	sst s6  }
0xf: {  	[smem:$0x3FB0] =	sst s7  }
0x10: {  	[smem:$0x3FB1] =	sst s8  }
0x11: {  	[smem:$0x3FB2] =	sst s9;
	s0 =	simm.s32 @!p0 $0x0  }
0x12: {  	s1 =	sld [smem:$0x3F98];
	s0 =	simm.s32 @p0 $0x1  }
0x13: {  	[smem:$0x3FB3] =	sst s0;
	s0 =	simm.s32 @!p1 $0x0  }
0x14: {  	s2 =	sld [smem:$0x3F97];
	s0 =	simm.s32 @p1 $0x1  }
0x15: {  	[smem:$0x3FB4] =	sst s0;
	s0 =	simm.s32 @!p2 $0x0  }
0x16: {  	s3 =	sld [smem:$0x3FDB];
	s0 =	simm.s32 @p2 $0x1  }
0x17: {  	s4 =	simm.s32 $0x1BF5;
	[smem:$0x3FB6] =	sst s0  }
0x18: {  	s0 =	sld [smem:$0x3F99];
	_ =	swait.ge [sflag:s4], $0x0  }
0x19: {  	s7 =	sld [smem:$0x3F9A]  }
0x1a: {  	s8 =	sadd.s32 $0xFFFFE003, lr  }
0x1b: {  	s9 =	sadd.s32 $0xFFFFFEF7, lr;
	s5 =	simm.s32 $0xFFFFFFFF;
	p2 =	slt.u32 s8, $0xFFFFF086  }
0x1c: {  	p1 =	slt.u32 s9, $0xF7A;
	s5 =	simm.s32 @!p2 $0x0  }
0x1d: {  	s5 =	simm.s32 @p1 $0x1;
	p0 =	seq.s32 s7, s2  }
0x1e: {  	s7 =	smul.u32 @!p0 $0xF7A, s2;
	p2 =	seq.s32 @!p0 s5, $0x0  }
0x1f: {  	s9 =	smul.u32 $0xF7A, s1;
	s8 =	simm.s32 @!p0 $0x1BF5;
	p2 =	por !p2, p0  }
0x20: {  	[sflag:s8] =	ssyncset.s32 @!p0 $0xFFFFF086;
	s6 =	sadd.s32 @!p0 s3, s7;
	s7 =	simm.s32 @!p0 $0x108  }
0x21: {  	s3 =	sadd.s32 s3, s9;
	s6 =	sadd.s32 @!p0 $0x88, s6;
	s7 =	simm.s32 @p2 $0x1082  }
0x22: {  	[simem:s7], [sflag:s8] =	dma.local @!p0 [hbm:s6], $0xF7A  }
0x23: {  	s9 =	sor.u32 $0xD0000000, s2;
	s6 =	simm.s32 $0x108;
	_ =	swait.ge @!p0 [sflag:s8], $0x0  }
0x24: {  	s3 =	sadd.s32 $0x88, s3;
	s6 =	simm.s32 @!p1 $0x1082;
	[sflag:s4] =	ssyncset.s32 $0xFFFFF086  }
0x25: {  	[simem:s6], [sflag:s4] =	dma.local [hbm:s3], $0xF7A  }
0x26: {  	[smem:$0x3F9A] =	sst s1;
	(tag) =	ssettag s2;
	_ =	strace s9  }
0x27: {  	s1 =	sld [smem:$0x3FAA]  }
0x28: {  	s2 =	sld [smem:$0x3FAB]  }
0x29: {  	s4 =	sld [smem:$0x3FAD]  }
0x2a: {  	p0 =	seq.s32 s5, $0x0;
	s5 =	sld [smem:$0x3FAE]  }
0x2b: {  	s6 =	sld [smem:$0x3FAF]  }
0x2c: {  	s7 =	sld [smem:$0x3FB0]  }
0x2d: {  	s3 =	simm.s32 $0x108;
	s8 =	sld [smem:$0x3FB1]  }
0x2e: {  	s3 =	simm.s32 @!p0 $0x1082;
	s9 =	sld [smem:$0x3FB2]  }
0x2f: {  	lr =	sadd.s32 s0, s3;
	s0 =	sld [smem:$0x3FA9]  }
0x30: {  	s3 =	sld [smem:$0x3FAC]  }
0x31: {  	[smem:$0x3FB5] =	sst s10  }
0x32: {  	s10 =	sld [smem:$0x3FB3];
	_ =	sdelay $0x3  }
0x33: {  	p0 =	seq.s32 s10, $0x1;
	s10 =	sld [smem:$0x3FB5];
	_ =	sdelay $0x3  }
0x34: {  	[smem:$0x3FB5] =	sst s10  }
0x35: {  	s10 =	sld [smem:$0x3FB4];
	_ =	sdelay $0x3  }
0x36: {  	p1 =	seq.s32 s10, $0x1;
	s10 =	sld [smem:$0x3FB5];
	_ =	sdelay $0x3  }
0x37: {  	[smem:$0x3FB5] =	sst s10  }
0x38: {  	s10 =	sld [smem:$0x3FB6]  }
0x39: {  	_ = 	snop;
	(pc) =	sbr.ind lr, $3  }
0x3a: {  	_ = 	snop  }
0x3b: {  	_ = 	snop  }
0x3c: {  	p2 =	seq.s32 s10, $0x1;
	s10 =	sld [smem:$0x3FB5]  }
0x3d: {  	_ =	shalt  }
0x3e: {  	_ =	shalt  }
0x3f: {  	_ =	shalt  }
0x40: {  	_ =	shalt  }
0x41: {  	_ =	shalt  }
0x42: {  	_ =	shalt  }
0x43: {  	_ =	shalt  }
0x44: {  	_ =	shalt  }
0x45: {  	_ =	shalt  }
0x46: {  	_ =	shalt  }
0x47: {  	_ =	shalt  }
0x48: {  	_ =	shalt  }
0x49: {  	_ =	shalt  }
0x4a: {  	_ =	shalt  }
0x4b: {  	_ =	shalt  }
0x4c: {  	_ =	shalt  }
0x4d: {  	_ =	shalt  }
0x4e: {  	_ =	shalt  }
0x4f: {  	_ =	shalt  }
0x50: {  	_ =	shalt  }
0x51: {  	_ =	shalt  }
0x52: {  	_ =	shalt  }
0x53: {  	_ =	shalt  }
0x54: {  	_ =	shalt  }
0x55: {  	_ =	shalt  }
0x56: {  	_ =	shalt  }
0x57: {  	_ =	shalt  }
0x58: {  	_ =	shalt  }
0x59: {  	_ =	shalt  }
0x5a: {  	_ =	shalt  }
0x5b: {  	_ =	shalt  }
0x5c: {  	_ =	shalt  }
0x5d: {  	_ =	shalt  }
0x5e: {  	_ =	shalt  }
0x5f: {  	_ =	shalt  }
0x60: {  	_ =	shalt  }
0x61: {  	_ =	shalt  }
0x62: {  	_ =	shalt  }
0x63: {  	_ =	shalt  }
0x64: {  	_ =	shalt  }
0x65: {  	_ =	shalt  }
0x66: {  	_ =	shalt  }
0x67: {  	_ =	shalt  }
0x68: {  	_ =	shalt  }
0x69: {  	_ =	shalt  }
0x6a: {  	_ =	shalt  }
0x6b: {  	_ =	shalt  }
0x6c: {  	_ =	shalt  }
0x6d: {  	_ =	shalt  }
0x6e: {  	_ =	shalt  }
0x6f: {  	_ =	shalt  }
0x70: {  	_ =	shalt  }
0x71: {  	_ =	shalt  }
0x72: {  	_ =	shalt  }
0x73: {  	_ =	shalt  }
0x74: {  	_ =	shalt  }
0x75: {  	_ =	shalt  }
0x76: {  	_ =	shalt  }
0x77: {  	_ =	shalt  }
0x78: {  	_ =	shalt  }
0x79: {  	_ =	shalt  }
0x7a: {  	_ =	shalt  }
0x7b: {  	_ =	shalt  }
0x7c: {  	_ =	shalt  }
0x7d: {  	_ =	shalt  }
0x7e: {  	_ =	shalt  }
0x7f: {  	_ =	shalt  }
0x80: {  	_ =	shalt  }
0x81: {  	_ =	shalt  }
0x82: {  	_ =	shalt  }
0x83: {  	_ =	shalt  }
0x84: {  	_ =	shalt  }
0x85: {  	_ =	shalt  }
0x86: {  	_ =	shalt  }
0x87: {  	_ =	shalt  }
.Lfunc_end0:
.L_simem_size_0:
called_computation_lowered:
.L_overlay_start_0:
0x88: {  	s2 =	sld [smem:$0x3FD9]  }
0x89: {  	s3 =	sld [smem:$0x3FFE];
	_ =	sdelay $0x1  }
0x8a: {  	s1 =	srdreg.scid  }
0x8b: {  	s0 =	sand.u32 $0x1, s1  }
0x8c: {  	s17 =	sshll.u32 s0, $0xA;
	s2 =	sadd.s32 s3, s2  }
0x8d: {  	s2 =	sadd.s32 s2, s17  }
0x8e: {  	[smem:$0x3FC1] =	sst s2  }
0x8f: {  	_ = 	snop  }
0x90: {  	s2 =	sld [smem:$0x3FD0];
	(tm) =	ssettm $0x1  }
0x91: {  	s18 =	sld [smem:$0x3FFB];
	_ =	sdelay $0x3  }
0x92: {  	_ =	strace s18  }
0x93: {  	s3 =	sld [smem:$0x3FFC];
	_ =	sdelay $0x3  }
0x94: {  	_ =	strace s3  }
0x95: {  	s3 =	sld [smem:$0x3FFD];
	_ =	sdelay $0x3  }
0x96: {  	_ =	strace s3  }
0x97: {  	_ =	strace $0x8FFFFFFF  }
0x98: {  	s19 =	sld [smem:$0x3FDB];
	_ =	sdelay $0x1  }
0x99: {  	s4 =	simm.s32 $_scs_section_size  }
0x9a: {  	s5 =	simm.s32 $_size__tile_overlayer_lowered;
	s6 =	simm.s32 $_tile_overlayer_lowered  }
0x9b: {  	s22 =	simm.s32 $0x1BFF;
	s21 =	sshll.u32 s6, $0x1;
	s3 =	sadd.s32 s4, s19  }
0x9c: {  	s7 =	simm.s32 $0x0;
	s20 =	sshll.u32 s5, $0x1;
	s5 =	sadd.s32 s21, s3  }
0x9d: {  	[timem:s7], [sflag:s22] =	dma.local [hbm:s5], s20  }
0x9e: {  	_ =	swait.ge [sflag:s22], s20  }
0x9f: {  	s4 =	ssub.s32 $0x0, s20;
	[sflag:s22] =	ssyncset.done $0x0  }
0xa0: {  	[sflag:s22] =	ssyncadd.s32 s4;
	_ =	sdelay $0x1  }
0xa1: {  	s23 =	simm.s32 $0x1B8B  }
0xa2: {  	_ =	swait.ge [sflag:s23], $0x1  }
0xa3: {  	[sflag:s23] =	ssyncset.done $0x0  }
0xa4: {  	s25 =	simm.s32 $0x1B8E;
	s24 =	sld [smem:$0x3FFE];
	[sflag:s23] =	ssyncadd.s32 $0xFFFFFFFF  }
0xa5: {  	s26 =	simm.s32 $execute0_lowered;
	[smem:$0x3FD2] =	sst s25  }
0xa6: {  	s5 =	sshll.u32 s26, $0x1;
	_ =	strace $0x80000046;
	[dreg:$0x1] =	wrdreg $0xFFFFFFFF  }
0xa7: {  	s28 =	simm.s32 $_size_execute0_lowered;
	s3 =	sadd.s32 s3, s5;
	[dreg:$0x0] =	wrdreg $0x0  }
0xa8: {  	s5 =	sshll.u32 s28, $0x1;
	[dreg:$0x2] =	wrdreg s3  }
0xa9: {  	[dreg:$0x3] =	wrdreg s5  }
0xaa: {  	[dreg:$0x4] =	wrdreg $0xC0  }
0xab: {  	_ =	task [dreg:s7], $0x5FFFF  }
0xac: {  	[dreg:$0x1] =	wrdreg $0xFFFFFFFF  }
0xad: {  	[dreg:$0x0] =	wrdreg $0x60  }
0xae: {  	[dreg:$0x2] =	wrdreg s2  }
0xaf: {  	[dreg:$0x3] =	wrdreg s24  }
0xb0: {  	[dreg:$0x4] =	wrdreg $0x9  }
0xb1: {  	_ =	task.clear_ibuf [dreg:s7], $0x5FFFF;
	_ =	strace $0x90000046  }
0xb2: {  	s29 =	simm.s32 $0x9;
	_ =	strace $0x80000048  }
0xb3: {  	_ =	swait.ge [sflag:s29], $0x1  }
0xb4: {  	[sflag:s29] =	ssyncadd.s32 $0xFFFFFFFF  }
0xb5: {  	_ =	strace $0x90000048  }
0xb6: {  	_ =	sfence  }
0xb7: {  	s30 =	sld [smem:$0x0];
	_ =	sdelay $0x2  }
0xb8: {  	s31 =	sshll.u32 s1, $0xD;
	s1 =	sshrl.u32 s1, $0x2  }
0xb9: {  	s3 =	sand.u32 $0x4000, s31;
	s1 =	sadd.s32 s1, s30  }
0xba: {  	s0 =	sor.u32 s3, s0;
	s1 =	sshll.u32 s1, $0x11  }
0xbb: {  	s0 =	sor.u32 s1, s0  }
0xbc: {  	s0 =	sadd.s32 $0x8F2B, s0  }
0xbd: {  	[sflag:s0] =	ssyncadd.remote.s32 $0x1  }
0xbe: {  	_ =	sfence.sel $0xFFFF  }
0xbf: {  	[dreg:$0x0] =	wrdreg $0xFFFFFFFF;
	(pc) =	sbr.abs _section_cstart, $3  }
0xc0: {  	[dreg:$0x1] =	wrdreg $0xFFFFFFFF  }
0xc1: {  	_ =	task.clear_ibuf [dreg:s7], $0x2FFFF;
	_ =	strace $0x9FFFFFFF  }
0xc2: {  	(tm) =	ssettm $0x7FFFFFFF  }
0xc3: {  	_ =	shalt  }
tec
execute0_lowered:
.L_overlay_start_1:
0x0: {  	(tag) =	ssettag $0x1  }
0x1: {  	s1 =	srdreg.scid;
	s0 =	stileid.u32  }
0x2: {  	s3 =	rddreg [dreg:$0x0];
	s6 =	sand.u32 $0x1, s1;
	s31 =	sshll.u32 s0, $0x1  }
0x3: {  	s8 =	rddreg [dreg:$0x1];
	s2 =	simm.s32 $0x0;
	s7 =	sor.u32 s6, s31  }
0x4: {  	[smem:$0x7FF] =	sst s2;
	s4 =	smul.u32 $0x50, s7  }
0x5: {  	s1 =	rddreg [dreg:$0x2];
	s5 =	sadd.s32 $0x187C00, s8;
	_ =	strace $0x80000047  }
0x6: {  	s9 =	ssub.s32 $0x2, s6;
	s4 =	sadd.s32 s3, s4;
	s3 =	simm.s32 $0x2  }
0x7: {  	[tilespmem:s2], [sflag:$0x2] =	stream.linear.gather [hbm4b:s4+s2], $0x280, $0x38;
	[tilespmem:$0xA280] =	vst v63  }
0x8: {  	s6 =	simm.s32 $0x280;
	s11 =	sshrl.u32 s9, $0x1;
	_ =	swait.ge [sflag:s3], $0x280  }
0x9: {  	s10 =	smul.u32 $0x2800, s7;
	s9 =	ssub.s32 s9, s11;
	[sflag:s3] =	ssyncset.done $0x0  }
0xa: {  	s7 =	simm.s32 $0x1;
	s11 =	smax.u32 s9, $0x1;
	[sflag:s3] =	ssyncadd.s32 $0xFFFFFD80  }
0xb: {  	[tilespmem:s6], [sflag:$0x1] =	stream.indirect.gather [hbm4b:s5+s6], $0x40, s2, s6, $0xb8;
	[tilespmem:$0xA280] =	vst v63  }
0xc: {  	s8 =	sadd.s32 s10, s8;
	p0 =	sne.s32 s11, $0x1;
	_ =	swait.ge [sflag:s7], $0xA000  }
.Ltmp0:
0xd: {  	s9 =	simm.s32 $0x40;
	[sflag:s7] =	ssyncset.done $0x0;
	(pc) =	sbr.rel @!p0 .LBB2_2-.Ltmp0, $4  }
0xe: {  	s10 =	simm.s32 $0x80;
	s8 =	sadd.s32 $0x1200, s8;
	[sflag:s7] =	ssyncadd.s32 $0xFFFF6000  }
0xf: {  	[hbm4b:s8+s9] =	stream.strided.scatter [tilespmem:s6], [sflag:$0x2], $0xA000, s10, s9, $0x38;
	[tilespmem:$0xA280] =	vst v63  }
0x10: {  	_ =	swait.ge [sflag:s3], $0xA000  }
0x11: {  	s11 =	sadd.s32 $0xFFFFFFFF, s11;
	[sflag:s3] =	ssyncset.done $0x0  }
.LBB2_1:
0x12: {  	p0 =	sne.s32 s11, $0x1;
	s11 =	sadd.s32 $0xFFFFFFFF, s11;
	[sflag:s3] =	ssyncadd.s32 $0xFFFF6000  }
0x13: {  	[tilespmem:s2], [sflag:$0x2] =	stream.linear.gather [hbm4b:s4+s2], $0x280, $0x38;
	[tilespmem:$0xA280] =	vst v63  }
0x14: {  	_ =	swait.ge [sflag:s3], $0x280  }
0x15: {  	[sflag:s3] =	ssyncset.done $0x0  }
0x16: {  	[sflag:s3] =	ssyncadd.s32 $0xFFFFFD80  }
0x17: {  	[tilespmem:s6], [sflag:$0x1] =	stream.indirect.gather [hbm4b:s5+s6], $0x40, s2, s6, $0xb8;
	[tilespmem:$0xA280] =	vst v63  }
0x18: {  	_ =	swait.ge [sflag:s7], $0xA000  }
.Ltmp1:
0x19: {  	[sflag:s7] =	ssyncset.done $0x0;
	(pc) =	sbr.rel @p0 .LBB2_1-.Ltmp1, $4  }
0x1a: {  	[sflag:s7] =	ssyncadd.s32 $0xFFFF6000  }
0x1b: {  	[hbm4b:s8+s9] =	stream.strided.scatter [tilespmem:s6], [sflag:$0x2], $0xA000, s10, s9, $0x38;
	[tilespmem:$0xA280] =	vst v63  }
0x1c: {  	_ =	swait.ge [sflag:s3], $0xA000  }
0x1d: {  	[sflag:s3] =	ssyncset.done $0x0  }
.LBB2_2:
0x1e: {  	[sflag:s3] =	ssyncadd.s32 $0xFFFF6000  }
0x1f: {  	_ =	sfence.sel $0x180000  }
0x20: {  	[bflag:$0x0] =	sbarrier.arrive $0xFFFF  }
0x21: {  	p0 =	sne.s32 s0, $0x0;
	_ =	strace $0x90000047  }
0x22: {  	s0 =	sadd.s32 @!p0 $0x100000, s1;
	[bflag:$0x2] =	sbarrier.arrive $0xFFFF  }
0x23: {  	[sflag:s0] =	ssyncadd.tile.s32 @!p0 $0x1;
	_ =	shalt  }
.Lfunc_end2:
_tile_overlayer_lowered:
.L_overlay_start_2:
0x24: {  	(tag) =	ssettag $0x2  }
0x25: {  	s0 =	rddreg [dreg:$0x0];
	s2 =	stileid.u32  }
0x26: {  	s1 =	rddreg [dreg:$0x1];
	p0 =	sne.s32 s2, $0x0  }
0x27: {  	s3 =	rddreg [dreg:$0x2];
	[bflag:$0x3] =	sbarrier.arrive $0xFFFF;
	s2 =	simm.s32 @!p0 $0x1C02  }
0x28: {  	[timem:s3], [sflag:s2] =	dma.local @!p0 [hbm:s0], s1  }
0x29: {  	s0 =	simm.s32 @!p0 $0x2  }
0x2a: {  	_ =	swait.ge @!p0 [sflag:s0], s1  }
0x2b: {  	s1 =	ssub.s32 @!p0 $0x0, s1;
	[sflag:s0] =	ssyncset.done @!p0 $0x0  }
0x2c: {  	[sflag:s0] =	ssyncadd.s32 @!p0 s1  }
0x2d: {  	[bflag:$0x3] =	sbarrier.arrive $0xFFFF  }
0x2e: {  	_ =	shalt  }

</sc_bundles>
